<compile_context>
chip_gen: v7x
topology: tpu7x:2x2x1
jax: 0.10.2.dev20260603
libtpu: 0.0.44.dev20260713+nightly
codegen_flags: <defaults>
</compile_context>

<pallas_src>
import jax
import jax.numpy as jnp
from jax import lax
from jax.experimental import pallas as pl
from jax.experimental.pallas import tpu as pltpu
from jax.experimental.pallas import tpu_sc as plsc

D_MODEL = 64
MAX_SEQ_LEN = 200
BATCH = 4096

_NC = 2
_NS = 16
_NW = _NC * _NS
_ROWS_PER_W = BATCH // _NW
_L = 16
_G = 8
_NGRP = MAX_SEQ_LEN // _G
_GBITS = (16, 8, 4, 2, 1)
_ZGRP = 16
_ROWW_E = MAX_SEQ_LEN - _G


def _pe_body(len_hbm, tab2_hbm, emb_hbm, pos_hbm,
             len_v, tab_v, zero_v, pid_v, tail_v, sem_e, sem_t, sem_p):
    wid = lax.axis_index("s") * _NC + lax.axis_index("c")
    row_base = pl.multiple_of(wid * _ROWS_PER_W, _ROWS_PER_W)
    pltpu.sync_copy(len_hbm.at[pl.ds(row_base, _ROWS_PER_W)],
                    len_v.at[pl.ds(0, _ROWS_PER_W)])
    pltpu.sync_copy(tab2_hbm, tab_v)

    zvec = jnp.zeros((_L,), jnp.float32)

    def zfill(i, carry):
        r = i // (D_MODEL // _L)
        c = i - r * (D_MODEL // _L)
        zero_v[r, pl.ds(c * _L, _L)] = zvec
        return carry

    lax.fori_loop(0, _ZGRP * _G * D_MODEL // _L, zfill, 0)

    def row(r, carry):
        ln = len_v[pl.ds(r, _L)][0]
        q = lax.shift_right_logical(ln, 3)
        m = ln & 7
        out0 = (row_base + r) * MAX_SEQ_LEN
        off = jnp.int32(0)
        for gbit in _GBITS:
            @pl.when((q & gbit) != 0)
            def _(off=off, gbit=gbit):
                pltpu.async_copy(
                    tab_v.at[pl.ds(pl.multiple_of(off, _G), gbit * _G)],
                    emb_hbm.at[pl.ds(pl.multiple_of(out0 + off, _G),
                                     gbit * _G)], sem_e)
            off = off + (q & gbit) * _G
        slot = r & 7
        @pl.when(r >= 8)
        def _():
            pltpu.make_async_copy(
                emb_hbm.at[pl.ds(0, _G)],
                tail_v.at[pl.ds(0, _G)], sem_t).wait()
        s0 = pl.multiple_of(slot * _G, _G)
        mf = m.astype(jnp.float32)
        for j in range(_G):
            factor = jnp.where(mf > j, jnp.float32(1.0), jnp.float32(0.0))
            trow = q * _G + j
            for c in range(D_MODEL // _L):
                tail_v[s0 + j, pl.ds(c * _L, _L)] = (
                    tab_v[trow, pl.ds(c * _L, _L)] * factor)
        pltpu.async_copy(
            tail_v.at[pl.ds(s0, _G)],
            emb_hbm.at[pl.ds(pl.multiple_of(out0 + off, _G), _G)], sem_t)
        off = off + _G
        zq = (_NGRP - 1) - q
        for gbit in _GBITS:
            @pl.when((zq & gbit) != 0)
            def _(off=off, gbit=gbit):
                pltpu.async_copy(
                    zero_v.at[pl.ds(0, gbit * _G)],
                    emb_hbm.at[pl.ds(pl.multiple_of(out0 + off, _G),
                                     gbit * _G)], sem_e)
            off = off + (zq & gbit) * _G

        lenv = plsc.load_gather(len_v, [jnp.full((_L,), r, jnp.int32)])
        for s in (*range(0, 192, 16), 184):
            pos = s + 1 + lax.iota(jnp.int32, _L)
            pid_v[r, pl.ds(s, _L)] = jnp.where(pos <= lenv, pos, 0)
        return carry

    lax.fori_loop(0, _ROWS_PER_W, row, 0)
    ph = pltpu.async_copy(pid_v, pos_hbm.at[pl.ds(row_base, _ROWS_PER_W)],
                          sem_p)

    def drain(r, carry):
        pltpu.make_async_copy(
            emb_hbm.at[pl.ds(0, _ROWW_E)],
            tab_v.at[pl.ds(0, _ROWW_E)], sem_e).wait()
        return carry

    lax.fori_loop(0, _ROWS_PER_W, drain, 0)

    def drain_t(r, carry):
        pltpu.make_async_copy(
            emb_hbm.at[pl.ds(0, _G)],
            tail_v.at[pl.ds(0, _G)], sem_t).wait()
        return carry

    lax.fori_loop(0, 8, drain_t, 0)
    ph.wait()


def kernel(input_len, device, table):
    del device
    tab2 = table[1:]
    mesh = plsc.VectorSubcoreMesh(core_axis_name="c", subcore_axis_name="s")
    k = pl.kernel(
        _pe_body,
        mesh=mesh,
        compiler_params=pltpu.CompilerParams(needs_layout_passes=False),
        out_type=[
            jax.ShapeDtypeStruct((BATCH * MAX_SEQ_LEN, D_MODEL),
                                 jnp.float32),
            jax.ShapeDtypeStruct((BATCH, MAX_SEQ_LEN), jnp.int32),
        ],
        scratch_types=[
            pltpu.VMEM((_ROWS_PER_W + _L,), jnp.int32),
            pltpu.VMEM((MAX_SEQ_LEN, D_MODEL), jnp.float32),
            pltpu.VMEM((_ZGRP * _G, D_MODEL), jnp.float32),
            pltpu.VMEM((_ROWS_PER_W, MAX_SEQ_LEN), jnp.int32),
            pltpu.VMEM((8 * _G, D_MODEL), jnp.float32),
            pltpu.SemaphoreType.DMA,
            pltpu.SemaphoreType.DMA,
            pltpu.SemaphoreType.DMA,
        ],
    )
    emb_flat, pos = k(input_len.astype(jnp.int32), tab2)
    return (emb_flat.reshape(BATCH, MAX_SEQ_LEN, D_MODEL), pos)

# --- scband reference (transcript-rebuilt; emitter-appended) ---
"""Pipeline reference for scband-positional-encoding-1958505087630 (READ-ONLY COPY).

The authoritative reference and input builder live on the scoring server;
editing this copy changes nothing except your own understanding.
"""

import jax, jax.numpy as jnp
import numpy as np

D_MODEL = 64
MAX_SEQ_LEN = 200
BATCH = 4096


def _build_table():
    pe = np.array([[pos / np.power(10000, 2.0 * (j // 2) / D_MODEL) for j in range(D_MODEL)]
                   for pos in range(MAX_SEQ_LEN)])
    pe[:, 0::2] = np.sin(pe[:, 0::2])
    pe[:, 1::2] = np.cos(pe[:, 1::2])
    pe = pe.astype(np.float32)
    pad = np.zeros((1, D_MODEL), dtype=np.float32)
    return jnp.asarray(np.concatenate([pad, pe], axis=0))  # [max_seq_len+1, d_model]


def setup_inputs(seed: int = 0) -> dict:
    key = jax.random.key(seed)
    input_len = jax.random.randint(key, (BATCH,), 0, 200)  # lengths in [0, 199]
    table = _build_table()
    return {"input_len": input_len, "device": 0, "table": table}


def reference(input_len, device, table):
    # pos[b, i] = i+1 if (i+1) <= input_len[b] else 0  (0 is the pad row)
    positions = jnp.arange(1, MAX_SEQ_LEN + 1, dtype=input_len.dtype)  # [max_seq_len]
    mask = positions[None, :] <= input_len[:, None]                     # [B, max_seq_len]
    input_pos = jnp.where(mask, positions[None, :], 0)                  # [B, max_seq_len]
    emb = jnp.take(table, input_pos, axis=0)                            # [B, max_seq_len, d_model]
    return (emb, input_pos)

if __name__ == "__main__":
    import jax
    _d = setup_inputs()
    print(jax.jit(kernel)(*tuple(_d.values())))

</pallas_src>

<mosaic_0001>
#map = affine_map<(d0, d1) -> (0)>
#map1 = affine_map<(d0, d1) -> (0, 0)>
module attributes {stable_mosaic.version = 14 : i64} {
  func.func @_pe_body(%arg0: i32, %arg1: i32, %arg2: memref<4096xi32, #tpu.memory_space<hbm>>, %arg3: memref<200x64xf32, #tpu.memory_space<hbm>>, %arg4: memref<819200x64xf32, #tpu.memory_space<hbm>>, %arg5: memref<4096x200xi32, #tpu.memory_space<hbm>>, %arg6: memref<144xi32, #tpu.memory_space<vmem>>, %arg7: memref<200x64xf32, #tpu.memory_space<vmem>>, %arg8: memref<128x64xf32, #tpu.memory_space<vmem>>, %arg9: memref<128x200xi32, #tpu.memory_space<vmem>>, %arg10: memref<64x64xf32, #tpu.memory_space<vmem>>, %arg11: memref<!tpu.dma_semaphore, #tpu.memory_space<semaphore_mem>>, %arg12: memref<!tpu.dma_semaphore, #tpu.memory_space<semaphore_mem>>, %arg13: memref<!tpu.dma_semaphore, #tpu.memory_space<semaphore_mem>>) attributes {dimension_semantics = [#tpu.dimension_semantics<core_parallel>, #tpu.dimension_semantics<subcore_parallel>], iteration_bounds = array<i64: 2, 16>, scalar_prefetch = 0 : i64, scratch_operands = 8 : i64, tpu.core_type = #tpu.core_type<sc_vector_subcore>, window_params = [{transform_indices = #map}, {transform_indices = #map1}, {transform_indices = #map1}, {transform_indices = #map1}]} {
    %mul3A = arith.constant 2 : i32
    %mul3A_0 = arith.muli %arg1, %mul3A : i32
    %add3A = arith.addi %mul3A_0, %arg0 : i32
    %mul3A_1 = arith.constant 128 : i32
    %mul3A_2 = arith.muli %add3A, %mul3A_1 : i32
    %multiple_of3A = tpu.assume_multiple %mul3A_2, 128 : i32
    "tpu.region"() ({
      %run_scoped3A = tpu.sem_alloc : memref<!tpu.dma_semaphore, #tpu.memory_space<semaphore_mem>>
      %dma_start3A_33 = arith.constant 0 : i32
      %dma_start3A_34 = tpu.memref_slice %arg6[%dma_start3A_33] : memref<144xi32, #tpu.memory_space<vmem>> -> memref<128xi32, #tpu.memory_space<vmem>>
      %dma_start3A_35 = tpu.memref_slice %arg2[%multiple_of3A] : memref<4096xi32, #tpu.memory_space<hbm>> -> memref<128xi32, #tpu.memory_space<hbm>>
      %dma_start3A_36 = arith.constant 0 : i32
      %dma_start3A_37 = tpu.memref_slice %arg6[%dma_start3A_36] : memref<144xi32, #tpu.memory_space<vmem>> -> memref<128xi32, #tpu.memory_space<vmem>>
      %dma_start3A_38 = tpu.memref_slice %arg2[%multiple_of3A] : memref<4096xi32, #tpu.memory_space<hbm>> -> memref<128xi32, #tpu.memory_space<hbm>>
      tpu.enqueue_dma source(%dma_start3A_38 : memref<128xi32, #tpu.memory_space<hbm>>) target(%dma_start3A_37 : memref<128xi32, #tpu.memory_space<vmem>>) target_semaphore(%run_scoped3A : memref<!tpu.dma_semaphore, #tpu.memory_space<semaphore_mem>>)
      %dma_wait3A_39 = arith.constant 0 : i32
      %dma_wait3A_40 = tpu.memref_slice %arg6[%dma_wait3A_39] : memref<144xi32, #tpu.memory_space<vmem>> -> memref<128xi32, #tpu.memory_space<vmem>>
      %dma_wait3A_41 = tpu.memref_slice %arg2[%multiple_of3A] : memref<4096xi32, #tpu.memory_space<hbm>> -> memref<128xi32, #tpu.memory_space<hbm>>
      %dma_wait3A_42 = arith.constant 0 : i32
      %dma_wait3A_43 = tpu.memref_slice %arg6[%dma_wait3A_42] : memref<144xi32, #tpu.memory_space<vmem>> -> memref<128xi32, #tpu.memory_space<vmem>>
      %dma_wait3A_44 = tpu.memref_slice %arg2[%multiple_of3A] : memref<4096xi32, #tpu.memory_space<hbm>> -> memref<128xi32, #tpu.memory_space<hbm>>
      tpu.wait_dma2 semaphore(%run_scoped3A : memref<!tpu.dma_semaphore, #tpu.memory_space<semaphore_mem>>) src(%dma_wait3A_44 : memref<128xi32, #tpu.memory_space<hbm>>) dst(%dma_wait3A_43 : memref<128xi32, #tpu.memory_space<vmem>>)
      tpu.yield
    }) : () -> ()
    "tpu.region"() ({
      %run_scoped3A = tpu.sem_alloc : memref<!tpu.dma_semaphore, #tpu.memory_space<semaphore_mem>>
      tpu.enqueue_dma source(%arg3 : memref<200x64xf32, #tpu.memory_space<hbm>>) target(%arg7 : memref<200x64xf32, #tpu.memory_space<vmem>>) target_semaphore(%run_scoped3A : memref<!tpu.dma_semaphore, #tpu.memory_space<semaphore_mem>>)
      tpu.wait_dma2 semaphore(%run_scoped3A : memref<!tpu.dma_semaphore, #tpu.memory_space<semaphore_mem>>) src(%arg3 : memref<200x64xf32, #tpu.memory_space<hbm>>) dst(%arg7 : memref<200x64xf32, #tpu.memory_space<vmem>>)
      tpu.yield
    }) : () -> ()
    %broadcast_in_dim3A = arith.constant 0.000000e+00 : f32
    %broadcast_in_dim3A_3 = vector.broadcast %broadcast_in_dim3A : f32 to vector<16xf32>
    %scan3A = arith.constant 0 : i32
    %scan3A_4 = arith.constant 0 : i32
    %scan3A_5 = arith.constant 512 : i32
    %scan3A_6 = arith.addi %scan3A_4, %scan3A_5 : i32
    %scan3A_7 = arith.constant 1 : i32
    scf.for %scan3A_33 = %scan3A_4 to %scan3A_6 step %scan3A_7  : i32 {
      %jit3A = arith.constant 4 : i32
      %div3A = arith.divsi %scan3A_33, %jit3A : i32
      %sign3A = arith.constant 0 : i32
      %sign3A_34 = arith.cmpi sgt, %scan3A_33, %sign3A : i32
      %sign3A_35 = arith.extui %sign3A_34 : i1 to i32
      %sign3A_36 = arith.constant 0 : i32
      %sign3A_37 = arith.cmpi slt, %scan3A_33, %sign3A_36 : i32
      %sign3A_38 = arith.extui %sign3A_37 : i1 to i32
      %sign3A_39 = arith.subi %sign3A_35, %sign3A_38 : i32
      %sign3A_40 = arith.constant 0 : i32
      %sign3A_41 = arith.cmpi sgt, %jit3A, %sign3A_40 : i32
      %sign3A_42 = arith.extui %sign3A_41 : i1 to i32
      %sign3A_43 = arith.constant 0 : i32
      %sign3A_44 = arith.cmpi slt, %jit3A, %sign3A_43 : i32
      %sign3A_45 = arith.extui %sign3A_44 : i1 to i32
      %sign3A_46 = arith.subi %sign3A_42, %sign3A_45 : i32
      %ne3A = arith.cmpi ne, %sign3A_39, %sign3A_46 : i32
      %rem3A = arith.remsi %scan3A_33, %jit3A : i32
      %ne3A_47 = arith.constant 0 : i32
      %ne3A_48 = arith.cmpi ne, %rem3A, %ne3A_47 : i32
      %and3A = arith.andi %ne3A, %ne3A_48 : i1
      %sub3A = arith.constant 1 : i32
      %sub3A_49 = arith.subi %div3A, %sub3A : i32
      %select_n3A = arith.select %and3A, %sub3A_49, %div3A : i32
      %mul3A_50 = arith.constant 4 : i32
      %mul3A_51 = arith.muli %select_n3A, %mul3A_50 : i32
      %sub3A_52 = arith.subi %scan3A_33, %mul3A_51 : i32
      %mul3A_53 = arith.constant 16 : i32
      %mul3A_54 = arith.muli %sub3A_52, %mul3A_53 : i32
      %swap3A = arith.index_cast %select_n3A : i32 to index
      %swap3A_55 = arith.index_cast %mul3A_54 : i32 to index
      %swap3A_56 = tpu.vector_load %arg8[%swap3A, %swap3A_55] {strides = array<i32>} : memref<128x64xf32, #tpu.memory_space<vmem>>, vector<16xf32>,
      tpu.vector_store %arg8[%swap3A, %swap3A_55], %broadcast_in_dim3A_3 {strides = array<i32>} : memref<128x64xf32, #tpu.memory_space<vmem>>, vector<16xf32>,
    }
    %scan3A_8 = arith.constant 512 : i32
    %scan3A_9 = arith.constant 0 : i32
    %scan3A_10 = arith.constant 0 : i32
    %scan3A_11 = arith.constant 128 : i32
    %scan3A_12 = arith.addi %scan3A_10, %scan3A_11 : i32
    %scan3A_13 = arith.constant 1 : i32
    scf.for %scan3A_33 = %scan3A_10 to %scan3A_12 step %scan3A_13  : i32 {
      %get3A = arith.index_cast %scan3A_33 : i32 to index
      %get3A_34 = tpu.vector_load %arg6[%get3A] {strides = array<i32>} : memref<144xi32, #tpu.memory_space<vmem>>, vector<16xi32>,
      %slice3A = vector.extract_strided_slice %get3A_34 {offsets = [0], sizes = [1], strides = [1]} : vector<16xi32> to vector<1xi32>
      %squeeze3A = vector.extract %slice3A[0] : i32 from vector<1xi32>
      %shift_right_logical3A = arith.constant 3 : i32
      %shift_right_logical3A_35 = arith.shrui %squeeze3A, %shift_right_logical3A : i32
      %and3A = arith.constant 7 : i32
      %and3A_36 = arith.andi %squeeze3A, %and3A : i32
      %add3A_37 = arith.addi %multiple_of3A, %scan3A_33 : i32
      %mul3A_38 = arith.constant 200 : i32
      %mul3A_39 = arith.muli %add3A_37, %mul3A_38 : i32
      %and3A_40 = arith.constant 16 : i32
      %and3A_41 = arith.andi %shift_right_logical3A_35, %and3A_40 : i32
      %ne3A = arith.constant 0 : i32
      %ne3A_42 = arith.cmpi ne, %and3A_41, %ne3A : i32
      %convert_element_type3A = arith.extui %ne3A_42 : i1 to i32
      %cond3A = arith.constant 0 : i32
      %cond3A_43 = arith.constant 0 : i32
      %cond3A_44 = arith.cmpi ne, %convert_element_type3A, %cond3A_43 : i32
      scf.if %cond3A_44 {
        %multiple_of3A_712 = tpu.assume_multiple %cond3A, 8 : i32
        %add3A_713 = arith.addi %mul3A_39, %cond3A : i32
        %multiple_of3A_714 = tpu.assume_multiple %add3A_713, 8 : i32
        %dma_start3A_715 = arith.constant 0 : i32
        %dma_start3A_716 = tpu.memref_slice %arg7[%multiple_of3A_712, %dma_start3A_715] : memref<200x64xf32, #tpu.memory_space<vmem>> -> memref<128x64xf32, #tpu.memory_space<vmem>>
        %dma_start3A_717 = arith.constant 0 : i32
        %dma_start3A_718 = tpu.memref_slice %arg4[%multiple_of3A_714, %dma_start3A_717] : memref<819200x64xf32, #tpu.memory_space<hbm>> -> memref<128x64xf32, #tpu.memory_space<hbm>>
        %dma_start3A_719 = arith.constant 0 : i32
        %dma_start3A_720 = tpu.memref_slice %arg4[%multiple_of3A_714, %dma_start3A_719] : memref<819200x64xf32, #tpu.memory_space<hbm>> -> memref<128x64xf32, #tpu.memory_space<hbm>>
        %dma_start3A_721 = arith.constant 0 : i32
        %dma_start3A_722 = tpu.memref_slice %arg7[%multiple_of3A_712, %dma_start3A_721] : memref<200x64xf32, #tpu.memory_space<vmem>> -> memref<128x64xf32, #tpu.memory_space<vmem>>
        tpu.enqueue_dma source(%dma_start3A_722 : memref<128x64xf32, #tpu.memory_space<vmem>>) target(%dma_start3A_720 : memref<128x64xf32, #tpu.memory_space<hbm>>) target_semaphore(%arg11 : memref<!tpu.dma_semaphore, #tpu.memory_space<semaphore_mem>>)
      } else {
      }
      %and3A_45 = arith.constant 16 : i32
      %and3A_46 = arith.andi %shift_right_logical3A_35, %and3A_45 : i32
      %mul3A_47 = arith.constant 8 : i32
      %mul3A_48 = arith.muli %and3A_46, %mul3A_47 : i32
      %add3A_49 = arith.constant 0 : i32
      %add3A_50 = arith.addi %add3A_49, %mul3A_48 : i32
      %and3A_51 = arith.constant 8 : i32
      %and3A_52 = arith.andi %shift_right_logical3A_35, %and3A_51 : i32
      %ne3A_53 = arith.constant 0 : i32
      %ne3A_54 = arith.cmpi ne, %and3A_52, %ne3A_53 : i32
      %convert_element_type3A_55 = arith.extui %ne3A_54 : i1 to i32
      %cond3A_56 = arith.constant 0 : i32
      %cond3A_57 = arith.cmpi ne, %convert_element_type3A_55, %cond3A_56 : i32
      scf.if %cond3A_57 {
        %multiple_of3A_712 = tpu.assume_multiple %add3A_50, 8 : i32
        %add3A_713 = arith.addi %mul3A_39, %add3A_50 : i32
        %multiple_of3A_714 = tpu.assume_multiple %add3A_713, 8 : i32
        %dma_start3A_715 = arith.constant 0 : i32
        %dma_start3A_716 = tpu.memref_slice %arg7[%multiple_of3A_712, %dma_start3A_715] : memref<200x64xf32, #tpu.memory_space<vmem>> -> memref<64x64xf32, #tpu.memory_space<vmem>>
        %dma_start3A_717 = arith.constant 0 : i32
        %dma_start3A_718 = tpu.memref_slice %arg4[%multiple_of3A_714, %dma_start3A_717] : memref<819200x64xf32, #tpu.memory_space<hbm>> -> memref<64x64xf32, #tpu.memory_space<hbm>>
        %dma_start3A_719 = arith.constant 0 : i32
        %dma_start3A_720 = tpu.memref_slice %arg4[%multiple_of3A_714, %dma_start3A_719] : memref<819200x64xf32, #tpu.memory_space<hbm>> -> memref<64x64xf32, #tpu.memory_space<hbm>>
        %dma_start3A_721 = arith.constant 0 : i32
        %dma_start3A_722 = tpu.memref_slice %arg7[%multiple_of3A_712, %dma_start3A_721] : memref<200x64xf32, #tpu.memory_space<vmem>> -> memref<64x64xf32, #tpu.memory_space<vmem>>
        tpu.enqueue_dma source(%dma_start3A_722 : memref<64x64xf32, #tpu.memory_space<vmem>>) target(%dma_start3A_720 : memref<64x64xf32, #tpu.memory_space<hbm>>) target_semaphore(%arg11 : memref<!tpu.dma_semaphore, #tpu.memory_space<semaphore_mem>>)
      } else {
      }
      %and3A_58 = arith.constant 8 : i32
      %and3A_59 = arith.andi %shift_right_logical3A_35, %and3A_58 : i32
      %mul3A_60 = arith.constant 8 : i32
      %mul3A_61 = arith.muli %and3A_59, %mul3A_60 : i32
      %add3A_62 = arith.addi %add3A_50, %mul3A_61 : i32
      %and3A_63 = arith.constant 4 : i32
      %and3A_64 = arith.andi %shift_right_logical3A_35, %and3A_63 : i32
      %ne3A_65 = arith.constant 0 : i32
      %ne3A_66 = arith.cmpi ne, %and3A_64, %ne3A_65 : i32
      %convert_element_type3A_67 = arith.extui %ne3A_66 : i1 to i32
      %cond3A_68 = arith.constant 0 : i32
      %cond3A_69 = arith.cmpi ne, %convert_element_type3A_67, %cond3A_68 : i32
      scf.if %cond3A_69 {
        %multiple_of3A_712 = tpu.assume_multiple %add3A_62, 8 : i32
        %add3A_713 = arith.addi %mul3A_39, %add3A_62 : i32
        %multiple_of3A_714 = tpu.assume_multiple %add3A_713, 8 : i32
        %dma_start3A_715 = arith.constant 0 : i32
        %dma_start3A_716 = tpu.memref_slice %arg7[%multiple_of3A_712, %dma_start3A_715] : memref<200x64xf32, #tpu.memory_space<vmem>> -> memref<32x64xf32, #tpu.memory_space<vmem>>
        %dma_start3A_717 = arith.constant 0 : i32
        %dma_start3A_718 = tpu.memref_slice %arg4[%multiple_of3A_714, %dma_start3A_717] : memref<819200x64xf32, #tpu.memory_space<hbm>> -> memref<32x64xf32, #tpu.memory_space<hbm>>
        %dma_start3A_719 = arith.constant 0 : i32
        %dma_start3A_720 = tpu.memref_slice %arg4[%multiple_of3A_714, %dma_start3A_719] : memref<819200x64xf32, #tpu.memory_space<hbm>> -> memref<32x64xf32, #tpu.memory_space<hbm>>
        %dma_start3A_721 = arith.constant 0 : i32
        %dma_start3A_722 = tpu.memref_slice %arg7[%multiple_of3A_712, %dma_start3A_721] : memref<200x64xf32, #tpu.memory_space<vmem>> -> memref<32x64xf32, #tpu.memory_space<vmem>>
        tpu.enqueue_dma source(%dma_start3A_722 : memref<32x64xf32, #tpu.memory_space<vmem>>) target(%dma_start3A_720 : memref<32x64xf32, #tpu.memory_space<hbm>>) target_semaphore(%arg11 : memref<!tpu.dma_semaphore, #tpu.memory_space<semaphore_mem>>)
      } else {
      }
      %and3A_70 = arith.constant 4 : i32
      %and3A_71 = arith.andi %shift_right_logical3A_35, %and3A_70 : i32
      %mul3A_72 = arith.constant 8 : i32
      %mul3A_73 = arith.muli %and3A_71, %mul3A_72 : i32
      %add3A_74 = arith.addi %add3A_62, %mul3A_73 : i32
      %and3A_75 = arith.constant 2 : i32
      %and3A_76 = arith.andi %shift_right_logical3A_35, %and3A_75 : i32
      %ne3A_77 = arith.constant 0 : i32
      %ne3A_78 = arith.cmpi ne, %and3A_76, %ne3A_77 : i32
      %convert_element_type3A_79 = arith.extui %ne3A_78 : i1 to i32
      %cond3A_80 = arith.constant 0 : i32
      %cond3A_81 = arith.cmpi ne, %convert_element_type3A_79, %cond3A_80 : i32
      scf.if %cond3A_81 {
        %multiple_of3A_712 = tpu.assume_multiple %add3A_74, 8 : i32
        %add3A_713 = arith.addi %mul3A_39, %add3A_74 : i32
        %multiple_of3A_714 = tpu.assume_multiple %add3A_713, 8 : i32
        %dma_start3A_715 = arith.constant 0 : i32
        %dma_start3A_716 = tpu.memref_slice %arg7[%multiple_of3A_712, %dma_start3A_715] : memref<200x64xf32, #tpu.memory_space<vmem>> -> memref<16x64xf32, #tpu.memory_space<vmem>>
        %dma_start3A_717 = arith.constant 0 : i32
        %dma_start3A_718 = tpu.memref_slice %arg4[%multiple_of3A_714, %dma_start3A_717] : memref<819200x64xf32, #tpu.memory_space<hbm>> -> memref<16x64xf32, #tpu.memory_space<hbm>>
        %dma_start3A_719 = arith.constant 0 : i32
        %dma_start3A_720 = tpu.memref_slice %arg4[%multiple_of3A_714, %dma_start3A_719] : memref<819200x64xf32, #tpu.memory_space<hbm>> -> memref<16x64xf32, #tpu.memory_space<hbm>>
        %dma_start3A_721 = arith.constant 0 : i32
        %dma_start3A_722 = tpu.memref_slice %arg7[%multiple_of3A_712, %dma_start3A_721] : memref<200x64xf32, #tpu.memory_space<vmem>> -> memref<16x64xf32, #tpu.memory_space<vmem>>
        tpu.enqueue_dma source(%dma_start3A_722 : memref<16x64xf32, #tpu.memory_space<vmem>>) target(%dma_start3A_720 : memref<16x64xf32, #tpu.memory_space<hbm>>) target_semaphore(%arg11 : memref<!tpu.dma_semaphore, #tpu.memory_space<semaphore_mem>>)
      } else {
      }
      %and3A_82 = arith.constant 2 : i32
      %and3A_83 = arith.andi %shift_right_logical3A_35, %and3A_82 : i32
      %mul3A_84 = arith.constant 8 : i32
      %mul3A_85 = arith.muli %and3A_83, %mul3A_84 : i32
      %add3A_86 = arith.addi %add3A_74, %mul3A_85 : i32
      %and3A_87 = arith.constant 1 : i32
      %and3A_88 = arith.andi %shift_right_logical3A_35, %and3A_87 : i32
      %ne3A_89 = arith.constant 0 : i32
      %ne3A_90 = arith.cmpi ne, %and3A_88, %ne3A_89 : i32
      %convert_element_type3A_91 = arith.extui %ne3A_90 : i1 to i32
      %cond3A_92 = arith.constant 0 : i32
      %cond3A_93 = arith.cmpi ne, %convert_element_type3A_91, %cond3A_92 : i32
      scf.if %cond3A_93 {
        %multiple_of3A_712 = tpu.assume_multiple %add3A_86, 8 : i32
        %add3A_713 = arith.addi %mul3A_39, %add3A_86 : i32
        %multiple_of3A_714 = tpu.assume_multiple %add3A_713, 8 : i32
        %dma_start3A_715 = arith.constant 0 : i32
        %dma_start3A_716 = tpu.memref_slice %arg7[%multiple_of3A_712, %dma_start3A_715] : memref<200x64xf32, #tpu.memory_space<vmem>> -> memref<8x64xf32, #tpu.memory_space<vmem>>
        %dma_start3A_717 = arith.constant 0 : i32
        %dma_start3A_718 = tpu.memref_slice %arg4[%multiple_of3A_714, %dma_start3A_717] : memref<819200x64xf32, #tpu.memory_space<hbm>> -> memref<8x64xf32, #tpu.memory_space<hbm>>
        %dma_start3A_719 = arith.constant 0 : i32
        %dma_start3A_720 = tpu.memref_slice %arg4[%multiple_of3A_714, %dma_start3A_719] : memref<819200x64xf32, #tpu.memory_space<hbm>> -> memref<8x64xf32, #tpu.memory_space<hbm>>
        %dma_start3A_721 = arith.constant 0 : i32
        %dma_start3A_722 = tpu.memref_slice %arg7[%multiple_of3A_712, %dma_start3A_721] : memref<200x64xf32, #tpu.memory_space<vmem>> -> memref<8x64xf32, #tpu.memory_space<vmem>>
        tpu.enqueue_dma source(%dma_start3A_722 : memref<8x64xf32, #tpu.memory_space<vmem>>) target(%dma_start3A_720 : memref<8x64xf32, #tpu.memory_space<hbm>>) target_semaphore(%arg11 : memref<!tpu.dma_semaphore, #tpu.memory_space<semaphore_mem>>)
      } else {
      }
      %and3A_94 = arith.constant 1 : i32
      %and3A_95 = arith.andi %shift_right_logical3A_35, %and3A_94 : i32
      %mul3A_96 = arith.constant 8 : i32
      %mul3A_97 = arith.muli %and3A_95, %mul3A_96 : i32
      %add3A_98 = arith.addi %add3A_86, %mul3A_97 : i32
      %and3A_99 = arith.constant 7 : i32
      %and3A_100 = arith.andi %scan3A_33, %and3A_99 : i32
      %ge3A = arith.constant 8 : i32
      %ge3A_101 = arith.cmpi sge, %scan3A_33, %ge3A : i32
      %convert_element_type3A_102 = arith.extui %ge3A_101 : i1 to i32
      %cond3A_103 = arith.constant 0 : i32
      %cond3A_104 = arith.cmpi ne, %convert_element_type3A_102, %cond3A_103 : i32
      scf.if %cond3A_104 {
        %dma_wait3A_712 = arith.constant 0 : i32
        %dma_wait3A_713 = arith.constant 0 : i32
        %dma_wait3A_714 = tpu.memref_slice %arg10[%dma_wait3A_712, %dma_wait3A_713] : memref<64x64xf32, #tpu.memory_space<vmem>> -> memref<8x64xf32, #tpu.memory_space<vmem>>
        %dma_wait3A_715 = arith.constant 0 : i32
        %dma_wait3A_716 = arith.constant 0 : i32
        %dma_wait3A_717 = tpu.memref_slice %arg4[%dma_wait3A_715, %dma_wait3A_716] : memref<819200x64xf32, #tpu.memory_space<hbm>> -> memref<8x64xf32, #tpu.memory_space<hbm>>
        %dma_wait3A_718 = arith.constant 0 : i32
        %dma_wait3A_719 = arith.constant 0 : i32
        %dma_wait3A_720 = tpu.memref_slice %arg10[%dma_wait3A_718, %dma_wait3A_719] : memref<64x64xf32, #tpu.memory_space<vmem>> -> memref<8x64xf32, #tpu.memory_space<vmem>>
        %dma_wait3A_721 = arith.constant 0 : i32
        %dma_wait3A_722 = arith.constant 0 : i32
        %dma_wait3A_723 = tpu.memref_slice %arg4[%dma_wait3A_721, %dma_wait3A_722] : memref<819200x64xf32, #tpu.memory_space<hbm>> -> memref<8x64xf32, #tpu.memory_space<hbm>>
        tpu.wait_dma2 semaphore(%arg12 : memref<!tpu.dma_semaphore, #tpu.memory_space<semaphore_mem>>) src(%dma_wait3A_723 : memref<8x64xf32, #tpu.memory_space<hbm>>) dst(%dma_wait3A_720 : memref<8x64xf32, #tpu.memory_space<vmem>>)
      } else {
      }
      %mul3A_105 = arith.constant 8 : i32
      %mul3A_106 = arith.muli %and3A_100, %mul3A_105 : i32
      %multiple_of3A_107 = tpu.assume_multiple %mul3A_106, 8 : i32
      %convert_element_type3A_108 = arith.sitofp %and3A_36 : i32 to f32
      %gt3A = arith.constant 0.000000e+00 : f32
      %gt3A_109 = arith.cmpf ogt, %convert_element_type3A_108, %gt3A : f32
      %jit3A = arith.constant 1.000000e+00 : f32
      %jit3A_110 = arith.constant 0.000000e+00 : f32
      %select_n3A = arith.select %gt3A_109, %jit3A, %jit3A_110 : f32
      %mul3A_111 = arith.constant 8 : i32
      %mul3A_112 = arith.muli %shift_right_logical3A_35, %mul3A_111 : i32
      %add3A_113 = arith.constant 0 : i32
      %add3A_114 = arith.addi %mul3A_112, %add3A_113 : i32
      %get3A_115 = arith.index_cast %add3A_114 : i32 to index
      %get3A_116 = arith.constant 0 : index
      %get3A_117 = tpu.vector_load %arg7[%get3A_115, %get3A_116] {strides = array<i32>} : memref<200x64xf32, #tpu.memory_space<vmem>>, vector<16xf32>,
      %mul3A_118 = vector.broadcast %select_n3A : f32 to vector<16xf32>
      %mul3A_119 = arith.mulf %get3A_117, %mul3A_118 : vector<16xf32>
      %add3A_120 = arith.constant 0 : i32
      %add3A_121 = arith.addi %multiple_of3A_107, %add3A_120 : i32
      %swap3A = arith.index_cast %add3A_121 : i32 to index
      %swap3A_122 = arith.constant 0 : index
      %swap3A_123 = tpu.vector_load %arg10[%swap3A, %swap3A_122] {strides = array<i32>} : memref<64x64xf32, #tpu.memory_space<vmem>>, vector<16xf32>,
      tpu.vector_store %arg10[%swap3A, %swap3A_122], %mul3A_119 {strides = array<i32>} : memref<64x64xf32, #tpu.memory_space<vmem>>, vector<16xf32>,
      %get3A_124 = arith.index_cast %add3A_114 : i32 to index
      %get3A_125 = arith.constant 16 : index
      %get3A_126 = tpu.vector_load %arg7[%get3A_124, %get3A_125] {strides = array<i32>} : memref<200x64xf32, #tpu.memory_space<vmem>>, vector<16xf32>,
      %mul3A_127 = vector.broadcast %select_n3A : f32 to vector<16xf32>
      %mul3A_128 = arith.mulf %get3A_126, %mul3A_127 : vector<16xf32>
      %add3A_129 = arith.constant 0 : i32
      %add3A_130 = arith.addi %multiple_of3A_107, %add3A_129 : i32
      %swap3A_131 = arith.index_cast %add3A_130 : i32 to index
      %swap3A_132 = arith.constant 16 : index
      %swap3A_133 = tpu.vector_load %arg10[%swap3A_131, %swap3A_132] {strides = array<i32>} : memref<64x64xf32, #tpu.memory_space<vmem>>, vector<16xf32>,
      tpu.vector_store %arg10[%swap3A_131, %swap3A_132], %mul3A_128 {strides = array<i32>} : memref<64x64xf32, #tpu.memory_space<vmem>>, vector<16xf32>,
      %get3A_134 = arith.index_cast %add3A_114 : i32 to index
      %get3A_135 = arith.constant 32 : index
      %get3A_136 = tpu.vector_load %arg7[%get3A_134, %get3A_135] {strides = array<i32>} : memref<200x64xf32, #tpu.memory_space<vmem>>, vector<16xf32>,
      %mul3A_137 = vector.broadcast %select_n3A : f32 to vector<16xf32>
      %mul3A_138 = arith.mulf %get3A_136, %mul3A_137 : vector<16xf32>
      %add3A_139 = arith.constant 0 : i32
      %add3A_140 = arith.addi %multiple_of3A_107, %add3A_139 : i32
      %swap3A_141 = arith.index_cast %add3A_140 : i32 to index
      %swap3A_142 = arith.constant 32 : index
      %swap3A_143 = tpu.vector_load %arg10[%swap3A_141, %swap3A_142] {strides = array<i32>} : memref<64x64xf32, #tpu.memory_space<vmem>>, vector<16xf32>,
      tpu.vector_store %arg10[%swap3A_141, %swap3A_142], %mul3A_138 {strides = array<i32>} : memref<64x64xf32, #tpu.memory_space<vmem>>, vector<16xf32>,
      %get3A_144 = arith.index_cast %add3A_114 : i32 to index
      %get3A_145 = arith.constant 48 : index
      %get3A_146 = tpu.vector_load %arg7[%get3A_144, %get3A_145] {strides = array<i32>} : memref<200x64xf32, #tpu.memory_space<vmem>>, vector<16xf32>,
      %mul3A_147 = vector.broadcast %select_n3A : f32 to vector<16xf32>
      %mul3A_148 = arith.mulf %get3A_146, %mul3A_147 : vector<16xf32>
      %add3A_149 = arith.constant 0 : i32
      %add3A_150 = arith.addi %multiple_of3A_107, %add3A_149 : i32
      %swap3A_151 = arith.index_cast %add3A_150 : i32 to index
      %swap3A_152 = arith.constant 48 : index
      %swap3A_153 = tpu.vector_load %arg10[%swap3A_151, %swap3A_152] {strides = array<i32>} : memref<64x64xf32, #tpu.memory_space<vmem>>, vector<16xf32>,
      tpu.vector_store %arg10[%swap3A_151, %swap3A_152], %mul3A_148 {strides = array<i32>} : memref<64x64xf32, #tpu.memory_space<vmem>>, vector<16xf32>,
      %gt3A_154 = arith.constant 1.000000e+00 : f32
      %gt3A_155 = arith.cmpf ogt, %convert_element_type3A_108, %gt3A_154 : f32
      %jit3A_156 = arith.constant 1.000000e+00 : f32
      %jit3A_157 = arith.constant 0.000000e+00 : f32
      %select_n3A_158 = arith.select %gt3A_155, %jit3A_156, %jit3A_157 : f32
      %mul3A_159 = arith.constant 8 : i32
      %mul3A_160 = arith.muli %shift_right_logical3A_35, %mul3A_159 : i32
      %add3A_161 = arith.constant 1 : i32
      %add3A_162 = arith.addi %mul3A_160, %add3A_161 : i32
      %get3A_163 = arith.index_cast %add3A_162 : i32 to index
      %get3A_164 = arith.constant 0 : index
      %get3A_165 = tpu.vector_load %arg7[%get3A_163, %get3A_164] {strides = array<i32>} : memref<200x64xf32, #tpu.memory_space<vmem>>, vector<16xf32>,
      %mul3A_166 = vector.broadcast %select_n3A_158 : f32 to vector<16xf32>
      %mul3A_167 = arith.mulf %get3A_165, %mul3A_166 : vector<16xf32>
      %add3A_168 = arith.constant 1 : i32
      %add3A_169 = arith.addi %multiple_of3A_107, %add3A_168 : i32
      %swap3A_170 = arith.index_cast %add3A_169 : i32 to index
      %swap3A_171 = arith.constant 0 : index
      %swap3A_172 = tpu.vector_load %arg10[%swap3A_170, %swap3A_171] {strides = array<i32>} : memref<64x64xf32, #tpu.memory_space<vmem>>, vector<16xf32>,
      tpu.vector_store %arg10[%swap3A_170, %swap3A_171], %mul3A_167 {strides = array<i32>} : memref<64x64xf32, #tpu.memory_space<vmem>>, vector<16xf32>,
      %get3A_173 = arith.index_cast %add3A_162 : i32 to index
      %get3A_174 = arith.constant 16 : index
      %get3A_175 = tpu.vector_load %arg7[%get3A_173, %get3A_174] {strides = array<i32>} : memref<200x64xf32, #tpu.memory_space<vmem>>, vector<16xf32>,
      %mul3A_176 = vector.broadcast %select_n3A_158 : f32 to vector<16xf32>
      %mul3A_177 = arith.mulf %get3A_175, %mul3A_176 : vector<16xf32>
      %add3A_178 = arith.constant 1 : i32
      %add3A_179 = arith.addi %multiple_of3A_107, %add3A_178 : i32
      %swap3A_180 = arith.index_cast %add3A_179 : i32 to index
      %swap3A_181 = arith.constant 16 : index
      %swap3A_182 = tpu.vector_load %arg10[%swap3A_180, %swap3A_181] {strides = array<i32>} : memref<64x64xf32, #tpu.memory_space<vmem>>, vector<16xf32>,
      tpu.vector_store %arg10[%swap3A_180, %swap3A_181], %mul3A_177 {strides = array<i32>} : memref<64x64xf32, #tpu.memory_space<vmem>>, vector<16xf32>,
      %get3A_183 = arith.index_cast %add3A_162 : i32 to index
      %get3A_184 = arith.constant 32 : index
      %get3A_185 = tpu.vector_load %arg7[%get3A_183, %get3A_184] {strides = array<i32>} : memref<200x64xf32, #tpu.memory_space<vmem>>, vector<16xf32>,
      %mul3A_186 = vector.broadcast %select_n3A_158 : f32 to vector<16xf32>
      %mul3A_187 = arith.mulf %get3A_185, %mul3A_186 : vector<16xf32>
      %add3A_188 = arith.constant 1 : i32
      %add3A_189 = arith.addi %multiple_of3A_107, %add3A_188 : i32
      %swap3A_190 = arith.index_cast %add3A_189 : i32 to index
      %swap3A_191 = arith.constant 32 : index
      %swap3A_192 = tpu.vector_load %arg10[%swap3A_190, %swap3A_191] {strides = array<i32>} : memref<64x64xf32, #tpu.memory_space<vmem>>, vector<16xf32>,
      tpu.vector_store %arg10[%swap3A_190, %swap3A_191], %mul3A_187 {strides = array<i32>} : memref<64x64xf32, #tpu.memory_space<vmem>>, vector<16xf32>,
      %get3A_193 = arith.index_cast %add3A_162 : i32 to index
      %get3A_194 = arith.constant 48 : index
      %get3A_195 = tpu.vector_load %arg7[%get3A_193, %get3A_194] {strides = array<i32>} : memref<200x64xf32, #tpu.memory_space<vmem>>, vector<16xf32>,
      %mul3A_196 = vector.broadcast %select_n3A_158 : f32 to vector<16xf32>
      %mul3A_197 = arith.mulf %get3A_195, %mul3A_196 : vector<16xf32>
      %add3A_198 = arith.constant 1 : i32
      %add3A_199 = arith.addi %multiple_of3A_107, %add3A_198 : i32
      %swap3A_200 = arith.index_cast %add3A_199 : i32 to index
      %swap3A_201 = arith.constant 48 : index
      %swap3A_202 = tpu.vector_load %arg10[%swap3A_200, %swap3A_201] {strides = array<i32>} : memref<64x64xf32, #tpu.memory_space<vmem>>, vector<16xf32>,
      tpu.vector_store %arg10[%swap3A_200, %swap3A_201], %mul3A_197 {strides = array<i32>} : memref<64x64xf32, #tpu.memory_space<vmem>>, vector<16xf32>,
      %gt3A_203 = arith.constant 2.000000e+00 : f32
      %gt3A_204 = arith.cmpf ogt, %convert_element_type3A_108, %gt3A_203 : f32
      %jit3A_205 = arith.constant 1.000000e+00 : f32
      %jit3A_206 = arith.constant 0.000000e+00 : f32
      %select_n3A_207 = arith.select %gt3A_204, %jit3A_205, %jit3A_206 : f32
      %mul3A_208 = arith.constant 8 : i32
      %mul3A_209 = arith.muli %shift_right_logical3A_35, %mul3A_208 : i32
      %add3A_210 = arith.constant 2 : i32
      %add3A_211 = arith.addi %mul3A_209, %add3A_210 : i32
      %get3A_212 = arith.index_cast %add3A_211 : i32 to index
      %get3A_213 = arith.constant 0 : index
      %get3A_214 = tpu.vector_load %arg7[%get3A_212, %get3A_213] {strides = array<i32>} : memref<200x64xf32, #tpu.memory_space<vmem>>, vector<16xf32>,
      %mul3A_215 = vector.broadcast %select_n3A_207 : f32 to vector<16xf32>
      %mul3A_216 = arith.mulf %get3A_214, %mul3A_215 : vector<16xf32>
      %add3A_217 = arith.constant 2 : i32
      %add3A_218 = arith.addi %multiple_of3A_107, %add3A_217 : i32
      %swap3A_219 = arith.index_cast %add3A_218 : i32 to index
      %swap3A_220 = arith.constant 0 : index
      %swap3A_221 = tpu.vector_load %arg10[%swap3A_219, %swap3A_220] {strides = array<i32>} : memref<64x64xf32, #tpu.memory_space<vmem>>, vector<16xf32>,
      tpu.vector_store %arg10[%swap3A_219, %swap3A_220], %mul3A_216 {strides = array<i32>} : memref<64x64xf32, #tpu.memory_space<vmem>>, vector<16xf32>,
      %get3A_222 = arith.index_cast %add3A_211 : i32 to index
      %get3A_223 = arith.constant 16 : index
      %get3A_224 = tpu.vector_load %arg7[%get3A_222, %get3A_223] {strides = array<i32>} : memref<200x64xf32, #tpu.memory_space<vmem>>, vector<16xf32>,
      %mul3A_225 = vector.broadcast %select_n3A_207 : f32 to vector<16xf32>
      %mul3A_226 = arith.mulf %get3A_224, %mul3A_225 : vector<16xf32>
      %add3A_227 = arith.constant 2 : i32
      %add3A_228 = arith.addi %multiple_of3A_107, %add3A_227 : i32
      %swap3A_229 = arith.index_cast %add3A_228 : i32 to index
      %swap3A_230 = arith.constant 16 : index
      %swap3A_231 = tpu.vector_load %arg10[%swap3A_229, %swap3A_230] {strides = array<i32>} : memref<64x64xf32, #tpu.memory_space<vmem>>, vector<16xf32>,
      tpu.vector_store %arg10[%swap3A_229, %swap3A_230], %mul3A_226 {strides = array<i32>} : memref<64x64xf32, #tpu.memory_space<vmem>>, vector<16xf32>,
      %get3A_232 = arith.index_cast %add3A_211 : i32 to index
      %get3A_233 = arith.constant 32 : index
      %get3A_234 = tpu.vector_load %arg7[%get3A_232, %get3A_233] {strides = array<i32>} : memref<200x64xf32, #tpu.memory_space<vmem>>, vector<16xf32>,
      %mul3A_235 = vector.broadcast %select_n3A_207 : f32 to vector<16xf32>
      %mul3A_236 = arith.mulf %get3A_234, %mul3A_235 : vector<16xf32>
      %add3A_237 = arith.constant 2 : i32
      %add3A_238 = arith.addi %multiple_of3A_107, %add3A_237 : i32
      %swap3A_239 = arith.index_cast %add3A_238 : i32 to index
      %swap3A_240 = arith.constant 32 : index
      %swap3A_241 = tpu.vector_load %arg10[%swap3A_239, %swap3A_240] {strides = array<i32>} : memref<64x64xf32, #tpu.memory_space<vmem>>, vector<16xf32>,
      tpu.vector_store %arg10[%swap3A_239, %swap3A_240], %mul3A_236 {strides = array<i32>} : memref<64x64xf32, #tpu.memory_space<vmem>>, vector<16xf32>,
      %get3A_242 = arith.index_cast %add3A_211 : i32 to index
      %get3A_243 = arith.constant 48 : index
      %get3A_244 = tpu.vector_load %arg7[%get3A_242, %get3A_243] {strides = array<i32>} : memref<200x64xf32, #tpu.memory_space<vmem>>, vector<16xf32>,
      %mul3A_245 = vector.broadcast %select_n3A_207 : f32 to vector<16xf32>
      %mul3A_246 = arith.mulf %get3A_244, %mul3A_245 : vector<16xf32>
      %add3A_247 = arith.constant 2 : i32
      %add3A_248 = arith.addi %multiple_of3A_107, %add3A_247 : i32
      %swap3A_249 = arith.index_cast %add3A_248 : i32 to index
      %swap3A_250 = arith.constant 48 : index
      %swap3A_251 = tpu.vector_load %arg10[%swap3A_249, %swap3A_250] {strides = array<i32>} : memref<64x64xf32, #tpu.memory_space<vmem>>, vector<16xf32>,
      tpu.vector_store %arg10[%swap3A_249, %swap3A_250], %mul3A_246 {strides = array<i32>} : memref<64x64xf32, #tpu.memory_space<vmem>>, vector<16xf32>,
      %gt3A_252 = arith.constant 3.000000e+00 : f32
      %gt3A_253 = arith.cmpf ogt, %convert_element_type3A_108, %gt3A_252 : f32
      %jit3A_254 = arith.constant 1.000000e+00 : f32
      %jit3A_255 = arith.constant 0.000000e+00 : f32
      %select_n3A_256 = arith.select %gt3A_253, %jit3A_254, %jit3A_255 : f32
      %mul3A_257 = arith.constant 8 : i32
      %mul3A_258 = arith.muli %shift_right_logical3A_35, %mul3A_257 : i32
      %add3A_259 = arith.constant 3 : i32
      %add3A_260 = arith.addi %mul3A_258, %add3A_259 : i32
      %get3A_261 = arith.index_cast %add3A_260 : i32 to index
      %get3A_262 = arith.constant 0 : index
      %get3A_263 = tpu.vector_load %arg7[%get3A_261, %get3A_262] {strides = array<i32>} : memref<200x64xf32, #tpu.memory_space<vmem>>, vector<16xf32>,
      %mul3A_264 = vector.broadcast %select_n3A_256 : f32 to vector<16xf32>
      %mul3A_265 = arith.mulf %get3A_263, %mul3A_264 : vector<16xf32>
      %add3A_266 = arith.constant 3 : i32
      %add3A_267 = arith.addi %multiple_of3A_107, %add3A_266 : i32
      %swap3A_268 = arith.index_cast %add3A_267 : i32 to index
      %swap3A_269 = arith.constant 0 : index
      %swap3A_270 = tpu.vector_load %arg10[%swap3A_268, %swap3A_269] {strides = array<i32>} : memref<64x64xf32, #tpu.memory_space<vmem>>, vector<16xf32>,
      tpu.vector_store %arg10[%swap3A_268, %swap3A_269], %mul3A_265 {strides = array<i32>} : memref<64x64xf32, #tpu.memory_space<vmem>>, vector<16xf32>,
      %get3A_271 = arith.index_cast %add3A_260 : i32 to index
      %get3A_272 = arith.constant 16 : index
      %get3A_273 = tpu.vector_load %arg7[%get3A_271, %get3A_272] {strides = array<i32>} : memref<200x64xf32, #tpu.memory_space<vmem>>, vector<16xf32>,
      %mul3A_274 = vector.broadcast %select_n3A_256 : f32 to vector<16xf32>
      %mul3A_275 = arith.mulf %get3A_273, %mul3A_274 : vector<16xf32>
      %add3A_276 = arith.constant 3 : i32
      %add3A_277 = arith.addi %multiple_of3A_107, %add3A_276 : i32
      %swap3A_278 = arith.index_cast %add3A_277 : i32 to index
      %swap3A_279 = arith.constant 16 : index
      %swap3A_280 = tpu.vector_load %arg10[%swap3A_278, %swap3A_279] {strides = array<i32>} : memref<64x64xf32, #tpu.memory_space<vmem>>, vector<16xf32>,
      tpu.vector_store %arg10[%swap3A_278, %swap3A_279], %mul3A_275 {strides = array<i32>} : memref<64x64xf32, #tpu.memory_space<vmem>>, vector<16xf32>,
      %get3A_281 = arith.index_cast %add3A_260 : i32 to index
      %get3A_282 = arith.constant 32 : index
      %get3A_283 = tpu.vector_load %arg7[%get3A_281, %get3A_282] {strides = array<i32>} : memref<200x64xf32, #tpu.memory_space<vmem>>, vector<16xf32>,
      %mul3A_284 = vector.broadcast %select_n3A_256 : f32 to vector<16xf32>
      %mul3A_285 = arith.mulf %get3A_283, %mul3A_284 : vector<16xf32>
      %add3A_286 = arith.constant 3 : i32
      %add3A_287 = arith.addi %multiple_of3A_107, %add3A_286 : i32
      %swap3A_288 = arith.index_cast %add3A_287 : i32 to index
      %swap3A_289 = arith.constant 32 : index
      %swap3A_290 = tpu.vector_load %arg10[%swap3A_288, %swap3A_289] {strides = array<i32>} : memref<64x64xf32, #tpu.memory_space<vmem>>, vector<16xf32>,
      tpu.vector_store %arg10[%swap3A_288, %swap3A_289], %mul3A_285 {strides = array<i32>} : memref<64x64xf32, #tpu.memory_space<vmem>>, vector<16xf32>,
      %get3A_291 = arith.index_cast %add3A_260 : i32 to index
      %get3A_292 = arith.constant 48 : index
      %get3A_293 = tpu.vector_load %arg7[%get3A_291, %get3A_292] {strides = array<i32>} : memref<200x64xf32, #tpu.memory_space<vmem>>, vector<16xf32>,
      %mul3A_294 = vector.broadcast %select_n3A_256 : f32 to vector<16xf32>
      %mul3A_295 = arith.mulf %get3A_293, %mul3A_294 : vector<16xf32>
      %add3A_296 = arith.constant 3 : i32
      %add3A_297 = arith.addi %multiple_of3A_107, %add3A_296 : i32
      %swap3A_298 = arith.index_cast %add3A_297 : i32 to index
      %swap3A_299 = arith.constant 48 : index
      %swap3A_300 = tpu.vector_load %arg10[%swap3A_298, %swap3A_299] {strides = array<i32>} : memref<64x64xf32, #tpu.memory_space<vmem>>, vector<16xf32>,
      tpu.vector_store %arg10[%swap3A_298, %swap3A_299], %mul3A_295 {strides = array<i32>} : memref<64x64xf32, #tpu.memory_space<vmem>>, vector<16xf32>,
      %gt3A_301 = arith.constant 4.000000e+00 : f32
      %gt3A_302 = arith.cmpf ogt, %convert_element_type3A_108, %gt3A_301 : f32
      %jit3A_303 = arith.constant 1.000000e+00 : f32
      %jit3A_304 = arith.constant 0.000000e+00 : f32
      %select_n3A_305 = arith.select %gt3A_302, %jit3A_303, %jit3A_304 : f32
      %mul3A_306 = arith.constant 8 : i32
      %mul3A_307 = arith.muli %shift_right_logical3A_35, %mul3A_306 : i32
      %add3A_308 = arith.constant 4 : i32
      %add3A_309 = arith.addi %mul3A_307, %add3A_308 : i32
      %get3A_310 = arith.index_cast %add3A_309 : i32 to index
      %get3A_311 = arith.constant 0 : index
      %get3A_312 = tpu.vector_load %arg7[%get3A_310, %get3A_311] {strides = array<i32>} : memref<200x64xf32, #tpu.memory_space<vmem>>, vector<16xf32>,
      %mul3A_313 = vector.broadcast %select_n3A_305 : f32 to vector<16xf32>
      %mul3A_314 = arith.mulf %get3A_312, %mul3A_313 : vector<16xf32>
      %add3A_315 = arith.constant 4 : i32
      %add3A_316 = arith.addi %multiple_of3A_107, %add3A_315 : i32
      %swap3A_317 = arith.index_cast %add3A_316 : i32 to index
      %swap3A_318 = arith.constant 0 : index
      %swap3A_319 = tpu.vector_load %arg10[%swap3A_317, %swap3A_318] {strides = array<i32>} : memref<64x64xf32, #tpu.memory_space<vmem>>, vector<16xf32>,
      tpu.vector_store %arg10[%swap3A_317, %swap3A_318], %mul3A_314 {strides = array<i32>} : memref<64x64xf32, #tpu.memory_space<vmem>>, vector<16xf32>,
      %get3A_320 = arith.index_cast %add3A_309 : i32 to index
      %get3A_321 = arith.constant 16 : index
      %get3A_322 = tpu.vector_load %arg7[%get3A_320, %get3A_321] {strides = array<i32>} : memref<200x64xf32, #tpu.memory_space<vmem>>, vector<16xf32>,
      %mul3A_323 = vector.broadcast %select_n3A_305 : f32 to vector<16xf32>
      %mul3A_324 = arith.mulf %get3A_322, %mul3A_323 : vector<16xf32>
      %add3A_325 = arith.constant 4 : i32
      %add3A_326 = arith.addi %multiple_of3A_107, %add3A_325 : i32
      %swap3A_327 = arith.index_cast %add3A_326 : i32 to index
      %swap3A_328 = arith.constant 16 : index
      %swap3A_329 = tpu.vector_load %arg10[%swap3A_327, %swap3A_328] {strides = array<i32>} : memref<64x64xf32, #tpu.memory_space<vmem>>, vector<16xf32>,
      tpu.vector_store %arg10[%swap3A_327, %swap3A_328], %mul3A_324 {strides = array<i32>} : memref<64x64xf32, #tpu.memory_space<vmem>>, vector<16xf32>,
      %get3A_330 = arith.index_cast %add3A_309 : i32 to index
      %get3A_331 = arith.constant 32 : index
      %get3A_332 = tpu.vector_load %arg7[%get3A_330, %get3A_331] {strides = array<i32>} : memref<200x64xf32, #tpu.memory_space<vmem>>, vector<16xf32>,
      %mul3A_333 = vector.broadcast %select_n3A_305 : f32 to vector<16xf32>
      %mul3A_334 = arith.mulf %get3A_332, %mul3A_333 : vector<16xf32>
      %add3A_335 = arith.constant 4 : i32
      %add3A_336 = arith.addi %multiple_of3A_107, %add3A_335 : i32
      %swap3A_337 = arith.index_cast %add3A_336 : i32 to index
      %swap3A_338 = arith.constant 32 : index
      %swap3A_339 = tpu.vector_load %arg10[%swap3A_337, %swap3A_338] {strides = array<i32>} : memref<64x64xf32, #tpu.memory_space<vmem>>, vector<16xf32>,
      tpu.vector_store %arg10[%swap3A_337, %swap3A_338], %mul3A_334 {strides = array<i32>} : memref<64x64xf32, #tpu.memory_space<vmem>>, vector<16xf32>,
      %get3A_340 = arith.index_cast %add3A_309 : i32 to index
      %get3A_341 = arith.constant 48 : index
      %get3A_342 = tpu.vector_load %arg7[%get3A_340, %get3A_341] {strides = array<i32>} : memref<200x64xf32, #tpu.memory_space<vmem>>, vector<16xf32>,
      %mul3A_343 = vector.broadcast %select_n3A_305 : f32 to vector<16xf32>
      %mul3A_344 = arith.mulf %get3A_342, %mul3A_343 : vector<16xf32>
      %add3A_345 = arith.constant 4 : i32
      %add3A_346 = arith.addi %multiple_of3A_107, %add3A_345 : i32
      %swap3A_347 = arith.index_cast %add3A_346 : i32 to index
      %swap3A_348 = arith.constant 48 : index
      %swap3A_349 = tpu.vector_load %arg10[%swap3A_347, %swap3A_348] {strides = array<i32>} : memref<64x64xf32, #tpu.memory_space<vmem>>, vector<16xf32>,
      tpu.vector_store %arg10[%swap3A_347, %swap3A_348], %mul3A_344 {strides = array<i32>} : memref<64x64xf32, #tpu.memory_space<vmem>>, vector<16xf32>,
      %gt3A_350 = arith.constant 5.000000e+00 : f32
      %gt3A_351 = arith.cmpf ogt, %convert_element_type3A_108, %gt3A_350 : f32
      %jit3A_352 = arith.constant 1.000000e+00 : f32
      %jit3A_353 = arith.constant 0.000000e+00 : f32
      %select_n3A_354 = arith.select %gt3A_351, %jit3A_352, %jit3A_353 : f32
      %mul3A_355 = arith.constant 8 : i32
      %mul3A_356 = arith.muli %shift_right_logical3A_35, %mul3A_355 : i32
      %add3A_357 = arith.constant 5 : i32
      %add3A_358 = arith.addi %mul3A_356, %add3A_357 : i32
      %get3A_359 = arith.index_cast %add3A_358 : i32 to index
      %get3A_360 = arith.constant 0 : index
      %get3A_361 = tpu.vector_load %arg7[%get3A_359, %get3A_360] {strides = array<i32>} : memref<200x64xf32, #tpu.memory_space<vmem>>, vector<16xf32>,
      %mul3A_362 = vector.broadcast %select_n3A_354 : f32 to vector<16xf32>
      %mul3A_363 = arith.mulf %get3A_361, %mul3A_362 : vector<16xf32>
      %add3A_364 = arith.constant 5 : i32
      %add3A_365 = arith.addi %multiple_of3A_107, %add3A_364 : i32
      %swap3A_366 = arith.index_cast %add3A_365 : i32 to index
      %swap3A_367 = arith.constant 0 : index
      %swap3A_368 = tpu.vector_load %arg10[%swap3A_366, %swap3A_367] {strides = array<i32>} : memref<64x64xf32, #tpu.memory_space<vmem>>, vector<16xf32>,
      tpu.vector_store %arg10[%swap3A_366, %swap3A_367], %mul3A_363 {strides = array<i32>} : memref<64x64xf32, #tpu.memory_space<vmem>>, vector<16xf32>,
      %get3A_369 = arith.index_cast %add3A_358 : i32 to index
      %get3A_370 = arith.constant 16 : index
      %get3A_371 = tpu.vector_load %arg7[%get3A_369, %get3A_370] {strides = array<i32>} : memref<200x64xf32, #tpu.memory_space<vmem>>, vector<16xf32>,
      %mul3A_372 = vector.broadcast %select_n3A_354 : f32 to vector<16xf32>
      %mul3A_373 = arith.mulf %get3A_371, %mul3A_372 : vector<16xf32>
      %add3A_374 = arith.constant 5 : i32
      %add3A_375 = arith.addi %multiple_of3A_107, %add3A_374 : i32
      %swap3A_376 = arith.index_cast %add3A_375 : i32 to index
      %swap3A_377 = arith.constant 16 : index
      %swap3A_378 = tpu.vector_load %arg10[%swap3A_376, %swap3A_377] {strides = array<i32>} : memref<64x64xf32, #tpu.memory_space<vmem>>, vector<16xf32>,
      tpu.vector_store %arg10[%swap3A_376, %swap3A_377], %mul3A_373 {strides = array<i32>} : memref<64x64xf32, #tpu.memory_space<vmem>>, vector<16xf32>,
      %get3A_379 = arith.index_cast %add3A_358 : i32 to index
      %get3A_380 = arith.constant 32 : index
      %get3A_381 = tpu.vector_load %arg7[%get3A_379, %get3A_380] {strides = array<i32>} : memref<200x64xf32, #tpu.memory_space<vmem>>, vector<16xf32>,
      %mul3A_382 = vector.broadcast %select_n3A_354 : f32 to vector<16xf32>
      %mul3A_383 = arith.mulf %get3A_381, %mul3A_382 : vector<16xf32>
      %add3A_384 = arith.constant 5 : i32
      %add3A_385 = arith.addi %multiple_of3A_107, %add3A_384 : i32
      %swap3A_386 = arith.index_cast %add3A_385 : i32 to index
      %swap3A_387 = arith.constant 32 : index
      %swap3A_388 = tpu.vector_load %arg10[%swap3A_386, %swap3A_387] {strides = array<i32>} : memref<64x64xf32, #tpu.memory_space<vmem>>, vector<16xf32>,
      tpu.vector_store %arg10[%swap3A_386, %swap3A_387], %mul3A_383 {strides = array<i32>} : memref<64x64xf32, #tpu.memory_space<vmem>>, vector<16xf32>,
      %get3A_389 = arith.index_cast %add3A_358 : i32 to index
      %get3A_390 = arith.constant 48 : index
      %get3A_391 = tpu.vector_load %arg7[%get3A_389, %get3A_390] {strides = array<i32>} : memref<200x64xf32, #tpu.memory_space<vmem>>, vector<16xf32>,
      %mul3A_392 = vector.broadcast %select_n3A_354 : f32 to vector<16xf32>
      %mul3A_393 = arith.mulf %get3A_391, %mul3A_392 : vector<16xf32>
      %add3A_394 = arith.constant 5 : i32
      %add3A_395 = arith.addi %multiple_of3A_107, %add3A_394 : i32
      %swap3A_396 = arith.index_cast %add3A_395 : i32 to index
      %swap3A_397 = arith.constant 48 : index
      %swap3A_398 = tpu.vector_load %arg10[%swap3A_396, %swap3A_397] {strides = array<i32>} : memref<64x64xf32, #tpu.memory_space<vmem>>, vector<16xf32>,
      tpu.vector_store %arg10[%swap3A_396, %swap3A_397], %mul3A_393 {strides = array<i32>} : memref<64x64xf32, #tpu.memory_space<vmem>>, vector<16xf32>,
      %gt3A_399 = arith.constant 6.000000e+00 : f32
      %gt3A_400 = arith.cmpf ogt, %convert_element_type3A_108, %gt3A_399 : f32
      %jit3A_401 = arith.constant 1.000000e+00 : f32
      %jit3A_402 = arith.constant 0.000000e+00 : f32
      %select_n3A_403 = arith.select %gt3A_400, %jit3A_401, %jit3A_402 : f32
      %mul3A_404 = arith.constant 8 : i32
      %mul3A_405 = arith.muli %shift_right_logical3A_35, %mul3A_404 : i32
      %add3A_406 = arith.constant 6 : i32
      %add3A_407 = arith.addi %mul3A_405, %add3A_406 : i32
      %get3A_408 = arith.index_cast %add3A_407 : i32 to index
      %get3A_409 = arith.constant 0 : index
      %get3A_410 = tpu.vector_load %arg7[%get3A_408, %get3A_409] {strides = array<i32>} : memref<200x64xf32, #tpu.memory_space<vmem>>, vector<16xf32>,
      %mul3A_411 = vector.broadcast %select_n3A_403 : f32 to vector<16xf32>
      %mul3A_412 = arith.mulf %get3A_410, %mul3A_411 : vector<16xf32>
      %add3A_413 = arith.constant 6 : i32
      %add3A_414 = arith.addi %multiple_of3A_107, %add3A_413 : i32
      %swap3A_415 = arith.index_cast %add3A_414 : i32 to index
      %swap3A_416 = arith.constant 0 : index
      %swap3A_417 = tpu.vector_load %arg10[%swap3A_415, %swap3A_416] {strides = array<i32>} : memref<64x64xf32, #tpu.memory_space<vmem>>, vector<16xf32>,
      tpu.vector_store %arg10[%swap3A_415, %swap3A_416], %mul3A_412 {strides = array<i32>} : memref<64x64xf32, #tpu.memory_space<vmem>>, vector<16xf32>,
      %get3A_418 = arith.index_cast %add3A_407 : i32 to index
      %get3A_419 = arith.constant 16 : index
      %get3A_420 = tpu.vector_load %arg7[%get3A_418, %get3A_419] {strides = array<i32>} : memref<200x64xf32, #tpu.memory_space<vmem>>, vector<16xf32>,
      %mul3A_421 = vector.broadcast %select_n3A_403 : f32 to vector<16xf32>
      %mul3A_422 = arith.mulf %get3A_420, %mul3A_421 : vector<16xf32>
      %add3A_423 = arith.constant 6 : i32
      %add3A_424 = arith.addi %multiple_of3A_107, %add3A_423 : i32
      %swap3A_425 = arith.index_cast %add3A_424 : i32 to index
      %swap3A_426 = arith.constant 16 : index
      %swap3A_427 = tpu.vector_load %arg10[%swap3A_425, %swap3A_426] {strides = array<i32>} : memref<64x64xf32, #tpu.memory_space<vmem>>, vector<16xf32>,
      tpu.vector_store %arg10[%swap3A_425, %swap3A_426], %mul3A_422 {strides = array<i32>} : memref<64x64xf32, #tpu.memory_space<vmem>>, vector<16xf32>,
      %get3A_428 = arith.index_cast %add3A_407 : i32 to index
      %get3A_429 = arith.constant 32 : index
      %get3A_430 = tpu.vector_load %arg7[%get3A_428, %get3A_429] {strides = array<i32>} : memref<200x64xf32, #tpu.memory_space<vmem>>, vector<16xf32>,
      %mul3A_431 = vector.broadcast %select_n3A_403 : f32 to vector<16xf32>
      %mul3A_432 = arith.mulf %get3A_430, %mul3A_431 : vector<16xf32>
      %add3A_433 = arith.constant 6 : i32
      %add3A_434 = arith.addi %multiple_of3A_107, %add3A_433 : i32
      %swap3A_435 = arith.index_cast %add3A_434 : i32 to index
      %swap3A_436 = arith.constant 32 : index
      %swap3A_437 = tpu.vector_load %arg10[%swap3A_435, %swap3A_436] {strides = array<i32>} : memref<64x64xf32, #tpu.memory_space<vmem>>, vector<16xf32>,
      tpu.vector_store %arg10[%swap3A_435, %swap3A_436], %mul3A_432 {strides = array<i32>} : memref<64x64xf32, #tpu.memory_space<vmem>>, vector<16xf32>,
      %get3A_438 = arith.index_cast %add3A_407 : i32 to index
      %get3A_439 = arith.constant 48 : index
      %get3A_440 = tpu.vector_load %arg7[%get3A_438, %get3A_439] {strides = array<i32>} : memref<200x64xf32, #tpu.memory_space<vmem>>, vector<16xf32>,
      %mul3A_441 = vector.broadcast %select_n3A_403 : f32 to vector<16xf32>
      %mul3A_442 = arith.mulf %get3A_440, %mul3A_441 : vector<16xf32>
      %add3A_443 = arith.constant 6 : i32
      %add3A_444 = arith.addi %multiple_of3A_107, %add3A_443 : i32
      %swap3A_445 = arith.index_cast %add3A_444 : i32 to index
      %swap3A_446 = arith.constant 48 : index
      %swap3A_447 = tpu.vector_load %arg10[%swap3A_445, %swap3A_446] {strides = array<i32>} : memref<64x64xf32, #tpu.memory_space<vmem>>, vector<16xf32>,
      tpu.vector_store %arg10[%swap3A_445, %swap3A_446], %mul3A_442 {strides = array<i32>} : memref<64x64xf32, #tpu.memory_space<vmem>>, vector<16xf32>,
      %gt3A_448 = arith.constant 7.000000e+00 : f32
      %gt3A_449 = arith.cmpf ogt, %convert_element_type3A_108, %gt3A_448 : f32
      %jit3A_450 = arith.constant 1.000000e+00 : f32
      %jit3A_451 = arith.constant 0.000000e+00 : f32
      %select_n3A_452 = arith.select %gt3A_449, %jit3A_450, %jit3A_451 : f32
      %mul3A_453 = arith.constant 8 : i32
      %mul3A_454 = arith.muli %shift_right_logical3A_35, %mul3A_453 : i32
      %add3A_455 = arith.constant 7 : i32
      %add3A_456 = arith.addi %mul3A_454, %add3A_455 : i32
      %get3A_457 = arith.index_cast %add3A_456 : i32 to index
      %get3A_458 = arith.constant 0 : index
      %get3A_459 = tpu.vector_load %arg7[%get3A_457, %get3A_458] {strides = array<i32>} : memref<200x64xf32, #tpu.memory_space<vmem>>, vector<16xf32>,
      %mul3A_460 = vector.broadcast %select_n3A_452 : f32 to vector<16xf32>
      %mul3A_461 = arith.mulf %get3A_459, %mul3A_460 : vector<16xf32>
      %add3A_462 = arith.constant 7 : i32
      %add3A_463 = arith.addi %multiple_of3A_107, %add3A_462 : i32
      %swap3A_464 = arith.index_cast %add3A_463 : i32 to index
      %swap3A_465 = arith.constant 0 : index
      %swap3A_466 = tpu.vector_load %arg10[%swap3A_464, %swap3A_465] {strides = array<i32>} : memref<64x64xf32, #tpu.memory_space<vmem>>, vector<16xf32>,
      tpu.vector_store %arg10[%swap3A_464, %swap3A_465], %mul3A_461 {strides = array<i32>} : memref<64x64xf32, #tpu.memory_space<vmem>>, vector<16xf32>,
      %get3A_467 = arith.index_cast %add3A_456 : i32 to index
      %get3A_468 = arith.constant 16 : index
      %get3A_469 = tpu.vector_load %arg7[%get3A_467, %get3A_468] {strides = array<i32>} : memref<200x64xf32, #tpu.memory_space<vmem>>, vector<16xf32>,
      %mul3A_470 = vector.broadcast %select_n3A_452 : f32 to vector<16xf32>
      %mul3A_471 = arith.mulf %get3A_469, %mul3A_470 : vector<16xf32>
      %add3A_472 = arith.constant 7 : i32
      %add3A_473 = arith.addi %multiple_of3A_107, %add3A_472 : i32
      %swap3A_474 = arith.index_cast %add3A_473 : i32 to index
      %swap3A_475 = arith.constant 16 : index
      %swap3A_476 = tpu.vector_load %arg10[%swap3A_474, %swap3A_475] {strides = array<i32>} : memref<64x64xf32, #tpu.memory_space<vmem>>, vector<16xf32>,
      tpu.vector_store %arg10[%swap3A_474, %swap3A_475], %mul3A_471 {strides = array<i32>} : memref<64x64xf32, #tpu.memory_space<vmem>>, vector<16xf32>,
      %get3A_477 = arith.index_cast %add3A_456 : i32 to index
      %get3A_478 = arith.constant 32 : index
      %get3A_479 = tpu.vector_load %arg7[%get3A_477, %get3A_478] {strides = array<i32>} : memref<200x64xf32, #tpu.memory_space<vmem>>, vector<16xf32>,
      %mul3A_480 = vector.broadcast %select_n3A_452 : f32 to vector<16xf32>
      %mul3A_481 = arith.mulf %get3A_479, %mul3A_480 : vector<16xf32>
      %add3A_482 = arith.constant 7 : i32
      %add3A_483 = arith.addi %multiple_of3A_107, %add3A_482 : i32
      %swap3A_484 = arith.index_cast %add3A_483 : i32 to index
      %swap3A_485 = arith.constant 32 : index
      %swap3A_486 = tpu.vector_load %arg10[%swap3A_484, %swap3A_485] {strides = array<i32>} : memref<64x64xf32, #tpu.memory_space<vmem>>, vector<16xf32>,
      tpu.vector_store %arg10[%swap3A_484, %swap3A_485], %mul3A_481 {strides = array<i32>} : memref<64x64xf32, #tpu.memory_space<vmem>>, vector<16xf32>,
      %get3A_487 = arith.index_cast %add3A_456 : i32 to index
      %get3A_488 = arith.constant 48 : index
      %get3A_489 = tpu.vector_load %arg7[%get3A_487, %get3A_488] {strides = array<i32>} : memref<200x64xf32, #tpu.memory_space<vmem>>, vector<16xf32>,
      %mul3A_490 = vector.broadcast %select_n3A_452 : f32 to vector<16xf32>
      %mul3A_491 = arith.mulf %get3A_489, %mul3A_490 : vector<16xf32>
      %add3A_492 = arith.constant 7 : i32
      %add3A_493 = arith.addi %multiple_of3A_107, %add3A_492 : i32
      %swap3A_494 = arith.index_cast %add3A_493 : i32 to index
      %swap3A_495 = arith.constant 48 : index
      %swap3A_496 = tpu.vector_load %arg10[%swap3A_494, %swap3A_495] {strides = array<i32>} : memref<64x64xf32, #tpu.memory_space<vmem>>, vector<16xf32>,
      tpu.vector_store %arg10[%swap3A_494, %swap3A_495], %mul3A_491 {strides = array<i32>} : memref<64x64xf32, #tpu.memory_space<vmem>>, vector<16xf32>,
      %add3A_497 = arith.addi %mul3A_39, %add3A_98 : i32
      %multiple_of3A_498 = tpu.assume_multiple %add3A_497, 8 : i32
      %dma_start3A_499 = arith.constant 0 : i32
      %dma_start3A_500 = tpu.memref_slice %arg10[%multiple_of3A_107, %dma_start3A_499] : memref<64x64xf32, #tpu.memory_space<vmem>> -> memref<8x64xf32, #tpu.memory_space<vmem>>
      %dma_start3A_501 = arith.constant 0 : i32
      %dma_start3A_502 = tpu.memref_slice %arg4[%multiple_of3A_498, %dma_start3A_501] : memref<819200x64xf32, #tpu.memory_space<hbm>> -> memref<8x64xf32, #tpu.memory_space<hbm>>
      %dma_start3A_503 = arith.constant 0 : i32
      %dma_start3A_504 = tpu.memref_slice %arg4[%multiple_of3A_498, %dma_start3A_503] : memref<819200x64xf32, #tpu.memory_space<hbm>> -> memref<8x64xf32, #tpu.memory_space<hbm>>
      %dma_start3A_505 = arith.constant 0 : i32
      %dma_start3A_506 = tpu.memref_slice %arg10[%multiple_of3A_107, %dma_start3A_505] : memref<64x64xf32, #tpu.memory_space<vmem>> -> memref<8x64xf32, #tpu.memory_space<vmem>>
      tpu.enqueue_dma source(%dma_start3A_506 : memref<8x64xf32, #tpu.memory_space<vmem>>) target(%dma_start3A_504 : memref<8x64xf32, #tpu.memory_space<hbm>>) target_semaphore(%arg12 : memref<!tpu.dma_semaphore, #tpu.memory_space<semaphore_mem>>)
      %add3A_507 = arith.constant 8 : i32
      %add3A_508 = arith.addi %add3A_98, %add3A_507 : i32
      %sub3A = arith.constant 24 : i32
      %sub3A_509 = arith.subi %sub3A, %shift_right_logical3A_35 : i32
      %and3A_510 = arith.constant 16 : i32
      %and3A_511 = arith.andi %sub3A_509, %and3A_510 : i32
      %ne3A_512 = arith.constant 0 : i32
      %ne3A_513 = arith.cmpi ne, %and3A_511, %ne3A_512 : i32
      %convert_element_type3A_514 = arith.extui %ne3A_513 : i1 to i32
      %cond3A_515 = arith.constant 0 : i32
      %cond3A_516 = arith.cmpi ne, %convert_element_type3A_514, %cond3A_515 : i32
      scf.if %cond3A_516 {
        %add3A_712 = arith.addi %mul3A_39, %add3A_508 : i32
        %multiple_of3A_713 = tpu.assume_multiple %add3A_712, 8 : i32
        %dma_start3A_714 = arith.constant 0 : i32
        %dma_start3A_715 = arith.constant 0 : i32
        %dma_start3A_716 = tpu.memref_slice %arg8[%dma_start3A_714, %dma_start3A_715] : memref<128x64xf32, #tpu.memory_space<vmem>> -> memref<128x64xf32, #tpu.memory_space<vmem>>
        %dma_start3A_717 = arith.constant 0 : i32
        %dma_start3A_718 = tpu.memref_slice %arg4[%multiple_of3A_713, %dma_start3A_717] : memref<819200x64xf32, #tpu.memory_space<hbm>> -> memref<128x64xf32, #tpu.memory_space<hbm>>
        %dma_start3A_719 = arith.constant 0 : i32
        %dma_start3A_720 = tpu.memref_slice %arg4[%multiple_of3A_713, %dma_start3A_719] : memref<819200x64xf32, #tpu.memory_space<hbm>> -> memref<128x64xf32, #tpu.memory_space<hbm>>
        %dma_start3A_721 = arith.constant 0 : i32
        %dma_start3A_722 = arith.constant 0 : i32
        %dma_start3A_723 = tpu.memref_slice %arg8[%dma_start3A_721, %dma_start3A_722] : memref<128x64xf32, #tpu.memory_space<vmem>> -> memref<128x64xf32, #tpu.memory_space<vmem>>
        tpu.enqueue_dma source(%dma_start3A_723 : memref<128x64xf32, #tpu.memory_space<vmem>>) target(%dma_start3A_720 : memref<128x64xf32, #tpu.memory_space<hbm>>) target_semaphore(%arg11 : memref<!tpu.dma_semaphore, #tpu.memory_space<semaphore_mem>>)
      } else {
      }
      %and3A_517 = arith.constant 16 : i32
      %and3A_518 = arith.andi %sub3A_509, %and3A_517 : i32
      %mul3A_519 = arith.constant 8 : i32
      %mul3A_520 = arith.muli %and3A_518, %mul3A_519 : i32
      %add3A_521 = arith.addi %add3A_508, %mul3A_520 : i32
      %and3A_522 = arith.constant 8 : i32
      %and3A_523 = arith.andi %sub3A_509, %and3A_522 : i32
      %ne3A_524 = arith.constant 0 : i32
      %ne3A_525 = arith.cmpi ne, %and3A_523, %ne3A_524 : i32
      %convert_element_type3A_526 = arith.extui %ne3A_525 : i1 to i32
      %cond3A_527 = arith.constant 0 : i32
      %cond3A_528 = arith.cmpi ne, %convert_element_type3A_526, %cond3A_527 : i32
      scf.if %cond3A_528 {
        %add3A_712 = arith.addi %mul3A_39, %add3A_521 : i32
        %multiple_of3A_713 = tpu.assume_multiple %add3A_712, 8 : i32
        %dma_start3A_714 = arith.constant 0 : i32
        %dma_start3A_715 = arith.constant 0 : i32
        %dma_start3A_716 = tpu.memref_slice %arg8[%dma_start3A_714, %dma_start3A_715] : memref<128x64xf32, #tpu.memory_space<vmem>> -> memref<64x64xf32, #tpu.memory_space<vmem>>
        %dma_start3A_717 = arith.constant 0 : i32
        %dma_start3A_718 = tpu.memref_slice %arg4[%multiple_of3A_713, %dma_start3A_717] : memref<819200x64xf32, #tpu.memory_space<hbm>> -> memref<64x64xf32, #tpu.memory_space<hbm>>
        %dma_start3A_719 = arith.constant 0 : i32
        %dma_start3A_720 = tpu.memref_slice %arg4[%multiple_of3A_713, %dma_start3A_719] : memref<819200x64xf32, #tpu.memory_space<hbm>> -> memref<64x64xf32, #tpu.memory_space<hbm>>
        %dma_start3A_721 = arith.constant 0 : i32
        %dma_start3A_722 = arith.constant 0 : i32
        %dma_start3A_723 = tpu.memref_slice %arg8[%dma_start3A_721, %dma_start3A_722] : memref<128x64xf32, #tpu.memory_space<vmem>> -> memref<64x64xf32, #tpu.memory_space<vmem>>
        tpu.enqueue_dma source(%dma_start3A_723 : memref<64x64xf32, #tpu.memory_space<vmem>>) target(%dma_start3A_720 : memref<64x64xf32, #tpu.memory_space<hbm>>) target_semaphore(%arg11 : memref<!tpu.dma_semaphore, #tpu.memory_space<semaphore_mem>>)
      } else {
      }
      %and3A_529 = arith.constant 8 : i32
      %and3A_530 = arith.andi %sub3A_509, %and3A_529 : i32
      %mul3A_531 = arith.constant 8 : i32
      %mul3A_532 = arith.muli %and3A_530, %mul3A_531 : i32
      %add3A_533 = arith.addi %add3A_521, %mul3A_532 : i32
      %and3A_534 = arith.constant 4 : i32
      %and3A_535 = arith.andi %sub3A_509, %and3A_534 : i32
      %ne3A_536 = arith.constant 0 : i32
      %ne3A_537 = arith.cmpi ne, %and3A_535, %ne3A_536 : i32
      %convert_element_type3A_538 = arith.extui %ne3A_537 : i1 to i32
      %cond3A_539 = arith.constant 0 : i32
      %cond3A_540 = arith.cmpi ne, %convert_element_type3A_538, %cond3A_539 : i32
      scf.if %cond3A_540 {
        %add3A_712 = arith.addi %mul3A_39, %add3A_533 : i32
        %multiple_of3A_713 = tpu.assume_multiple %add3A_712, 8 : i32
        %dma_start3A_714 = arith.constant 0 : i32
        %dma_start3A_715 = arith.constant 0 : i32
        %dma_start3A_716 = tpu.memref_slice %arg8[%dma_start3A_714, %dma_start3A_715] : memref<128x64xf32, #tpu.memory_space<vmem>> -> memref<32x64xf32, #tpu.memory_space<vmem>>
        %dma_start3A_717 = arith.constant 0 : i32
        %dma_start3A_718 = tpu.memref_slice %arg4[%multiple_of3A_713, %dma_start3A_717] : memref<819200x64xf32, #tpu.memory_space<hbm>> -> memref<32x64xf32, #tpu.memory_space<hbm>>
        %dma_start3A_719 = arith.constant 0 : i32
        %dma_start3A_720 = tpu.memref_slice %arg4[%multiple_of3A_713, %dma_start3A_719] : memref<819200x64xf32, #tpu.memory_space<hbm>> -> memref<32x64xf32, #tpu.memory_space<hbm>>
        %dma_start3A_721 = arith.constant 0 : i32
        %dma_start3A_722 = arith.constant 0 : i32
        %dma_start3A_723 = tpu.memref_slice %arg8[%dma_start3A_721, %dma_start3A_722] : memref<128x64xf32, #tpu.memory_space<vmem>> -> memref<32x64xf32, #tpu.memory_space<vmem>>
        tpu.enqueue_dma source(%dma_start3A_723 : memref<32x64xf32, #tpu.memory_space<vmem>>) target(%dma_start3A_720 : memref<32x64xf32, #tpu.memory_space<hbm>>) target_semaphore(%arg11 : memref<!tpu.dma_semaphore, #tpu.memory_space<semaphore_mem>>)
      } else {
      }
      %and3A_541 = arith.constant 4 : i32
      %and3A_542 = arith.andi %sub3A_509, %and3A_541 : i32
      %mul3A_543 = arith.constant 8 : i32
      %mul3A_544 = arith.muli %and3A_542, %mul3A_543 : i32
      %add3A_545 = arith.addi %add3A_533, %mul3A_544 : i32
      %and3A_546 = arith.constant 2 : i32
      %and3A_547 = arith.andi %sub3A_509, %and3A_546 : i32
      %ne3A_548 = arith.constant 0 : i32
      %ne3A_549 = arith.cmpi ne, %and3A_547, %ne3A_548 : i32
      %convert_element_type3A_550 = arith.extui %ne3A_549 : i1 to i32
      %cond3A_551 = arith.constant 0 : i32
      %cond3A_552 = arith.cmpi ne, %convert_element_type3A_550, %cond3A_551 : i32
      scf.if %cond3A_552 {
        %add3A_712 = arith.addi %mul3A_39, %add3A_545 : i32
        %multiple_of3A_713 = tpu.assume_multiple %add3A_712, 8 : i32
        %dma_start3A_714 = arith.constant 0 : i32
        %dma_start3A_715 = arith.constant 0 : i32
        %dma_start3A_716 = tpu.memref_slice %arg8[%dma_start3A_714, %dma_start3A_715] : memref<128x64xf32, #tpu.memory_space<vmem>> -> memref<16x64xf32, #tpu.memory_space<vmem>>
        %dma_start3A_717 = arith.constant 0 : i32
        %dma_start3A_718 = tpu.memref_slice %arg4[%multiple_of3A_713, %dma_start3A_717] : memref<819200x64xf32, #tpu.memory_space<hbm>> -> memref<16x64xf32, #tpu.memory_space<hbm>>
        %dma_start3A_719 = arith.constant 0 : i32
        %dma_start3A_720 = tpu.memref_slice %arg4[%multiple_of3A_713, %dma_start3A_719] : memref<819200x64xf32, #tpu.memory_space<hbm>> -> memref<16x64xf32, #tpu.memory_space<hbm>>
        %dma_start3A_721 = arith.constant 0 : i32
        %dma_start3A_722 = arith.constant 0 : i32
        %dma_start3A_723 = tpu.memref_slice %arg8[%dma_start3A_721, %dma_start3A_722] : memref<128x64xf32, #tpu.memory_space<vmem>> -> memref<16x64xf32, #tpu.memory_space<vmem>>
        tpu.enqueue_dma source(%dma_start3A_723 : memref<16x64xf32, #tpu.memory_space<vmem>>) target(%dma_start3A_720 : memref<16x64xf32, #tpu.memory_space<hbm>>) target_semaphore(%arg11 : memref<!tpu.dma_semaphore, #tpu.memory_space<semaphore_mem>>)
      } else {
      }
      %and3A_553 = arith.constant 2 : i32
      %and3A_554 = arith.andi %sub3A_509, %and3A_553 : i32
      %mul3A_555 = arith.constant 8 : i32
      %mul3A_556 = arith.muli %and3A_554, %mul3A_555 : i32
      %add3A_557 = arith.addi %add3A_545, %mul3A_556 : i32
      %and3A_558 = arith.constant 1 : i32
      %and3A_559 = arith.andi %sub3A_509, %and3A_558 : i32
      %ne3A_560 = arith.constant 0 : i32
      %ne3A_561 = arith.cmpi ne, %and3A_559, %ne3A_560 : i32
      %convert_element_type3A_562 = arith.extui %ne3A_561 : i1 to i32
      %cond3A_563 = arith.constant 0 : i32
      %cond3A_564 = arith.cmpi ne, %convert_element_type3A_562, %cond3A_563 : i32
      scf.if %cond3A_564 {
        %add3A_712 = arith.addi %mul3A_39, %add3A_557 : i32
        %multiple_of3A_713 = tpu.assume_multiple %add3A_712, 8 : i32
        %dma_start3A_714 = arith.constant 0 : i32
        %dma_start3A_715 = arith.constant 0 : i32
        %dma_start3A_716 = tpu.memref_slice %arg8[%dma_start3A_714, %dma_start3A_715] : memref<128x64xf32, #tpu.memory_space<vmem>> -> memref<8x64xf32, #tpu.memory_space<vmem>>
        %dma_start3A_717 = arith.constant 0 : i32
        %dma_start3A_718 = tpu.memref_slice %arg4[%multiple_of3A_713, %dma_start3A_717] : memref<819200x64xf32, #tpu.memory_space<hbm>> -> memref<8x64xf32, #tpu.memory_space<hbm>>
        %dma_start3A_719 = arith.constant 0 : i32
        %dma_start3A_720 = tpu.memref_slice %arg4[%multiple_of3A_713, %dma_start3A_719] : memref<819200x64xf32, #tpu.memory_space<hbm>> -> memref<8x64xf32, #tpu.memory_space<hbm>>
        %dma_start3A_721 = arith.constant 0 : i32
        %dma_start3A_722 = arith.constant 0 : i32
        %dma_start3A_723 = tpu.memref_slice %arg8[%dma_start3A_721, %dma_start3A_722] : memref<128x64xf32, #tpu.memory_space<vmem>> -> memref<8x64xf32, #tpu.memory_space<vmem>>
        tpu.enqueue_dma source(%dma_start3A_723 : memref<8x64xf32, #tpu.memory_space<vmem>>) target(%dma_start3A_720 : memref<8x64xf32, #tpu.memory_space<hbm>>) target_semaphore(%arg11 : memref<!tpu.dma_semaphore, #tpu.memory_space<semaphore_mem>>)
      } else {
      }
      %and3A_565 = arith.constant 1 : i32
      %and3A_566 = arith.andi %sub3A_509, %and3A_565 : i32
      %mul3A_567 = arith.constant 8 : i32
      %mul3A_568 = arith.muli %and3A_566, %mul3A_567 : i32
      %add3A_569 = arith.addi %add3A_557, %mul3A_568 : i32
      %broadcast_in_dim3A_570 = vector.broadcast %scan3A_33 : i32 to vector<16xi32>
      %gather3A = tpu.vector_load_idx %arg6[%broadcast_in_dim3A_570] : memref<144xi32, #tpu.memory_space<vmem>>[vector<16xi32>], vector<16xi32>,
      %iota3A = tpu.iota {dimensions = array<i32: 0>} : vector<16xi32>
      %add3A_571 = arith.constant 1 : i32
      %add3A_572 = vector.broadcast %add3A_571 : i32 to vector<16xi32>
      %add3A_573 = arith.addi %add3A_572, %iota3A : vector<16xi32>
      %le3A = arith.cmpi sle, %add3A_573, %gather3A : vector<16xi32>
      %jit3A_574 = arith.constant 0 : i32
      %broadcast_in_dim3A_575 = vector.broadcast %jit3A_574 : i32 to vector<16xi32>
      %select_n3A_576 = arith.select %le3A, %add3A_573, %broadcast_in_dim3A_575 : vector<16xi1>, vector<16xi32>
      %swap3A_577 = arith.index_cast %scan3A_33 : i32 to index
      %swap3A_578 = arith.constant 0 : index
      %swap3A_579 = tpu.vector_load %arg9[%swap3A_577, %swap3A_578] {strides = array<i32>} : memref<128x200xi32, #tpu.memory_space<vmem>>, vector<16xi32>,
      tpu.vector_store %arg9[%swap3A_577, %swap3A_578], %select_n3A_576 {strides = array<i32>} : memref<128x200xi32, #tpu.memory_space<vmem>>, vector<16xi32>,
      %iota3A_580 = tpu.iota {dimensions = array<i32: 0>} : vector<16xi32>
      %add3A_581 = arith.constant 17 : i32
      %add3A_582 = vector.broadcast %add3A_581 : i32 to vector<16xi32>
      %add3A_583 = arith.addi %add3A_582, %iota3A_580 : vector<16xi32>
      %le3A_584 = arith.cmpi sle, %add3A_583, %gather3A : vector<16xi32>
      %jit3A_585 = arith.constant 0 : i32
      %broadcast_in_dim3A_586 = vector.broadcast %jit3A_585 : i32 to vector<16xi32>
      %select_n3A_587 = arith.select %le3A_584, %add3A_583, %broadcast_in_dim3A_586 : vector<16xi1>, vector<16xi32>
      %swap3A_588 = arith.index_cast %scan3A_33 : i32 to index
      %swap3A_589 = arith.constant 16 : index
      %swap3A_590 = tpu.vector_load %arg9[%swap3A_588, %swap3A_589] {strides = array<i32>} : memref<128x200xi32, #tpu.memory_space<vmem>>, vector<16xi32>,
      tpu.vector_store %arg9[%swap3A_588, %swap3A_589], %select_n3A_587 {strides = array<i32>} : memref<128x200xi32, #tpu.memory_space<vmem>>, vector<16xi32>,
      %iota3A_591 = tpu.iota {dimensions = array<i32: 0>} : vector<16xi32>
      %add3A_592 = arith.constant 33 : i32
      %add3A_593 = vector.broadcast %add3A_592 : i32 to vector<16xi32>
      %add3A_594 = arith.addi %add3A_593, %iota3A_591 : vector<16xi32>
      %le3A_595 = arith.cmpi sle, %add3A_594, %gather3A : vector<16xi32>
      %jit3A_596 = arith.constant 0 : i32
      %broadcast_in_dim3A_597 = vector.broadcast %jit3A_596 : i32 to vector<16xi32>
      %select_n3A_598 = arith.select %le3A_595, %add3A_594, %broadcast_in_dim3A_597 : vector<16xi1>, vector<16xi32>
      %swap3A_599 = arith.index_cast %scan3A_33 : i32 to index
      %swap3A_600 = arith.constant 32 : index
      %swap3A_601 = tpu.vector_load %arg9[%swap3A_599, %swap3A_600] {strides = array<i32>} : memref<128x200xi32, #tpu.memory_space<vmem>>, vector<16xi32>,
      tpu.vector_store %arg9[%swap3A_599, %swap3A_600], %select_n3A_598 {strides = array<i32>} : memref<128x200xi32, #tpu.memory_space<vmem>>, vector<16xi32>,
      %iota3A_602 = tpu.iota {dimensions = array<i32: 0>} : vector<16xi32>
      %add3A_603 = arith.constant 49 : i32
      %add3A_604 = vector.broadcast %add3A_603 : i32 to vector<16xi32>
      %add3A_605 = arith.addi %add3A_604, %iota3A_602 : vector<16xi32>
      %le3A_606 = arith.cmpi sle, %add3A_605, %gather3A : vector<16xi32>
      %jit3A_607 = arith.constant 0 : i32
      %broadcast_in_dim3A_608 = vector.broadcast %jit3A_607 : i32 to vector<16xi32>
      %select_n3A_609 = arith.select %le3A_606, %add3A_605, %broadcast_in_dim3A_608 : vector<16xi1>, vector<16xi32>
      %swap3A_610 = arith.index_cast %scan3A_33 : i32 to index
      %swap3A_611 = arith.constant 48 : index
      %swap3A_612 = tpu.vector_load %arg9[%swap3A_610, %swap3A_611] {strides = array<i32>} : memref<128x200xi32, #tpu.memory_space<vmem>>, vector<16xi32>,
      tpu.vector_store %arg9[%swap3A_610, %swap3A_611], %select_n3A_609 {strides = array<i32>} : memref<128x200xi32, #tpu.memory_space<vmem>>, vector<16xi32>,
      %iota3A_613 = tpu.iota {dimensions = array<i32: 0>} : vector<16xi32>
      %add3A_614 = arith.constant 65 : i32
      %add3A_615 = vector.broadcast %add3A_614 : i32 to vector<16xi32>
      %add3A_616 = arith.addi %add3A_615, %iota3A_613 : vector<16xi32>
      %le3A_617 = arith.cmpi sle, %add3A_616, %gather3A : vector<16xi32>
      %jit3A_618 = arith.constant 0 : i32
      %broadcast_in_dim3A_619 = vector.broadcast %jit3A_618 : i32 to vector<16xi32>
      %select_n3A_620 = arith.select %le3A_617, %add3A_616, %broadcast_in_dim3A_619 : vector<16xi1>, vector<16xi32>
      %swap3A_621 = arith.index_cast %scan3A_33 : i32 to index
      %swap3A_622 = arith.constant 64 : index
      %swap3A_623 = tpu.vector_load %arg9[%swap3A_621, %swap3A_622] {strides = array<i32>} : memref<128x200xi32, #tpu.memory_space<vmem>>, vector<16xi32>,
      tpu.vector_store %arg9[%swap3A_621, %swap3A_622], %select_n3A_620 {strides = array<i32>} : memref<128x200xi32, #tpu.memory_space<vmem>>, vector<16xi32>,
      %iota3A_624 = tpu.iota {dimensions = array<i32: 0>} : vector<16xi32>
      %add3A_625 = arith.constant 81 : i32
      %add3A_626 = vector.broadcast %add3A_625 : i32 to vector<16xi32>
      %add3A_627 = arith.addi %add3A_626, %iota3A_624 : vector<16xi32>
      %le3A_628 = arith.cmpi sle, %add3A_627, %gather3A : vector<16xi32>
      %jit3A_629 = arith.constant 0 : i32
      %broadcast_in_dim3A_630 = vector.broadcast %jit3A_629 : i32 to vector<16xi32>
      %select_n3A_631 = arith.select %le3A_628, %add3A_627, %broadcast_in_dim3A_630 : vector<16xi1>, vector<16xi32>
      %swap3A_632 = arith.index_cast %scan3A_33 : i32 to index
      %swap3A_633 = arith.constant 80 : index
      %swap3A_634 = tpu.vector_load %arg9[%swap3A_632, %swap3A_633] {strides = array<i32>} : memref<128x200xi32, #tpu.memory_space<vmem>>, vector<16xi32>,
      tpu.vector_store %arg9[%swap3A_632, %swap3A_633], %select_n3A_631 {strides = array<i32>} : memref<128x200xi32, #tpu.memory_space<vmem>>, vector<16xi32>,
      %iota3A_635 = tpu.iota {dimensions = array<i32: 0>} : vector<16xi32>
      %add3A_636 = arith.constant 97 : i32
      %add3A_637 = vector.broadcast %add3A_636 : i32 to vector<16xi32>
      %add3A_638 = arith.addi %add3A_637, %iota3A_635 : vector<16xi32>
      %le3A_639 = arith.cmpi sle, %add3A_638, %gather3A : vector<16xi32>
      %jit3A_640 = arith.constant 0 : i32
      %broadcast_in_dim3A_641 = vector.broadcast %jit3A_640 : i32 to vector<16xi32>
      %select_n3A_642 = arith.select %le3A_639, %add3A_638, %broadcast_in_dim3A_641 : vector<16xi1>, vector<16xi32>
      %swap3A_643 = arith.index_cast %scan3A_33 : i32 to index
      %swap3A_644 = arith.constant 96 : index
      %swap3A_645 = tpu.vector_load %arg9[%swap3A_643, %swap3A_644] {strides = array<i32>} : memref<128x200xi32, #tpu.memory_space<vmem>>, vector<16xi32>,
      tpu.vector_store %arg9[%swap3A_643, %swap3A_644], %select_n3A_642 {strides = array<i32>} : memref<128x200xi32, #tpu.memory_space<vmem>>, vector<16xi32>,
      %iota3A_646 = tpu.iota {dimensions = array<i32: 0>} : vector<16xi32>
      %add3A_647 = arith.constant 113 : i32
      %add3A_648 = vector.broadcast %add3A_647 : i32 to vector<16xi32>
      %add3A_649 = arith.addi %add3A_648, %iota3A_646 : vector<16xi32>
      %le3A_650 = arith.cmpi sle, %add3A_649, %gather3A : vector<16xi32>
      %jit3A_651 = arith.constant 0 : i32
      %broadcast_in_dim3A_652 = vector.broadcast %jit3A_651 : i32 to vector<16xi32>
      %select_n3A_653 = arith.select %le3A_650, %add3A_649, %broadcast_in_dim3A_652 : vector<16xi1>, vector<16xi32>
      %swap3A_654 = arith.index_cast %scan3A_33 : i32 to index
      %swap3A_655 = arith.constant 112 : index
      %swap3A_656 = tpu.vector_load %arg9[%swap3A_654, %swap3A_655] {strides = array<i32>} : memref<128x200xi32, #tpu.memory_space<vmem>>, vector<16xi32>,
      tpu.vector_store %arg9[%swap3A_654, %swap3A_655], %select_n3A_653 {strides = array<i32>} : memref<128x200xi32, #tpu.memory_space<vmem>>, vector<16xi32>,
      %iota3A_657 = tpu.iota {dimensions = array<i32: 0>} : vector<16xi32>
      %add3A_658 = arith.constant 129 : i32
      %add3A_659 = vector.broadcast %add3A_658 : i32 to vector<16xi32>
      %add3A_660 = arith.addi %add3A_659, %iota3A_657 : vector<16xi32>
      %le3A_661 = arith.cmpi sle, %add3A_660, %gather3A : vector<16xi32>
      %jit3A_662 = arith.constant 0 : i32
      %broadcast_in_dim3A_663 = vector.broadcast %jit3A_662 : i32 to vector<16xi32>
      %select_n3A_664 = arith.select %le3A_661, %add3A_660, %broadcast_in_dim3A_663 : vector<16xi1>, vector<16xi32>
      %swap3A_665 = arith.index_cast %scan3A_33 : i32 to index
      %swap3A_666 = arith.constant 128 : index
      %swap3A_667 = tpu.vector_load %arg9[%swap3A_665, %swap3A_666] {strides = array<i32>} : memref<128x200xi32, #tpu.memory_space<vmem>>, vector<16xi32>,
      tpu.vector_store %arg9[%swap3A_665, %swap3A_666], %select_n3A_664 {strides = array<i32>} : memref<128x200xi32, #tpu.memory_space<vmem>>, vector<16xi32>,
      %iota3A_668 = tpu.iota {dimensions = array<i32: 0>} : vector<16xi32>
      %add3A_669 = arith.constant 145 : i32
      %add3A_670 = vector.broadcast %add3A_669 : i32 to vector<16xi32>
      %add3A_671 = arith.addi %add3A_670, %iota3A_668 : vector<16xi32>
      %le3A_672 = arith.cmpi sle, %add3A_671, %gather3A : vector<16xi32>
      %jit3A_673 = arith.constant 0 : i32
      %broadcast_in_dim3A_674 = vector.broadcast %jit3A_673 : i32 to vector<16xi32>
      %select_n3A_675 = arith.select %le3A_672, %add3A_671, %broadcast_in_dim3A_674 : vector<16xi1>, vector<16xi32>
      %swap3A_676 = arith.index_cast %scan3A_33 : i32 to index
      %swap3A_677 = arith.constant 144 : index
      %swap3A_678 = tpu.vector_load %arg9[%swap3A_676, %swap3A_677] {strides = array<i32>} : memref<128x200xi32, #tpu.memory_space<vmem>>, vector<16xi32>,
      tpu.vector_store %arg9[%swap3A_676, %swap3A_677], %select_n3A_675 {strides = array<i32>} : memref<128x200xi32, #tpu.memory_space<vmem>>, vector<16xi32>,
      %iota3A_679 = tpu.iota {dimensions = array<i32: 0>} : vector<16xi32>
      %add3A_680 = arith.constant 161 : i32
      %add3A_681 = vector.broadcast %add3A_680 : i32 to vector<16xi32>
      %add3A_682 = arith.addi %add3A_681, %iota3A_679 : vector<16xi32>
      %le3A_683 = arith.cmpi sle, %add3A_682, %gather3A : vector<16xi32>
      %jit3A_684 = arith.constant 0 : i32
      %broadcast_in_dim3A_685 = vector.broadcast %jit3A_684 : i32 to vector<16xi32>
      %select_n3A_686 = arith.select %le3A_683, %add3A_682, %broadcast_in_dim3A_685 : vector<16xi1>, vector<16xi32>
      %swap3A_687 = arith.index_cast %scan3A_33 : i32 to index
      %swap3A_688 = arith.constant 160 : index
      %swap3A_689 = tpu.vector_load %arg9[%swap3A_687, %swap3A_688] {strides = array<i32>} : memref<128x200xi32, #tpu.memory_space<vmem>>, vector<16xi32>,
      tpu.vector_store %arg9[%swap3A_687, %swap3A_688], %select_n3A_686 {strides = array<i32>} : memref<128x200xi32, #tpu.memory_space<vmem>>, vector<16xi32>,
      %iota3A_690 = tpu.iota {dimensions = array<i32: 0>} : vector<16xi32>
      %add3A_691 = arith.constant 177 : i32
      %add3A_692 = vector.broadcast %add3A_691 : i32 to vector<16xi32>
      %add3A_693 = arith.addi %add3A_692, %iota3A_690 : vector<16xi32>
      %le3A_694 = arith.cmpi sle, %add3A_693, %gather3A : vector<16xi32>
      %jit3A_695 = arith.constant 0 : i32
      %broadcast_in_dim3A_696 = vector.broadcast %jit3A_695 : i32 to vector<16xi32>
      %select_n3A_697 = arith.select %le3A_694, %add3A_693, %broadcast_in_dim3A_696 : vector<16xi1>, vector<16xi32>
      %swap3A_698 = arith.index_cast %scan3A_33 : i32 to index
      %swap3A_699 = arith.constant 176 : index
      %swap3A_700 = tpu.vector_load %arg9[%swap3A_698, %swap3A_699] {strides = array<i32>} : memref<128x200xi32, #tpu.memory_space<vmem>>, vector<16xi32>,
      tpu.vector_store %arg9[%swap3A_698, %swap3A_699], %select_n3A_697 {strides = array<i32>} : memref<128x200xi32, #tpu.memory_space<vmem>>, vector<16xi32>,
      %iota3A_701 = tpu.iota {dimensions = array<i32: 0>} : vector<16xi32>
      %add3A_702 = arith.constant 185 : i32
      %add3A_703 = vector.broadcast %add3A_702 : i32 to vector<16xi32>
      %add3A_704 = arith.addi %add3A_703, %iota3A_701 : vector<16xi32>
      %le3A_705 = arith.cmpi sle, %add3A_704, %gather3A : vector<16xi32>
      %jit3A_706 = arith.constant 0 : i32
      %broadcast_in_dim3A_707 = vector.broadcast %jit3A_706 : i32 to vector<16xi32>
      %select_n3A_708 = arith.select %le3A_705, %add3A_704, %broadcast_in_dim3A_707 : vector<16xi1>, vector<16xi32>
      %swap3A_709 = arith.index_cast %scan3A_33 : i32 to index
      %swap3A_710 = arith.constant 184 : index
      %swap3A_711 = tpu.vector_load %arg9[%swap3A_709, %swap3A_710] {strides = array<i32>} : memref<128x200xi32, #tpu.memory_space<vmem>>, vector<16xi32>,
      tpu.vector_store %arg9[%swap3A_709, %swap3A_710], %select_n3A_708 {strides = array<i32>} : memref<128x200xi32, #tpu.memory_space<vmem>>, vector<16xi32>,
    }
    %scan3A_14 = arith.constant 128 : i32
    %dma_start3A = arith.constant 0 : i32
    %dma_start3A_15 = tpu.memref_slice %arg5[%multiple_of3A, %dma_start3A] : memref<4096x200xi32, #tpu.memory_space<hbm>> -> memref<128x200xi32, #tpu.memory_space<hbm>>
    %dma_start3A_16 = arith.constant 0 : i32
    %dma_start3A_17 = tpu.memref_slice %arg5[%multiple_of3A, %dma_start3A_16] : memref<4096x200xi32, #tpu.memory_space<hbm>> -> memref<128x200xi32, #tpu.memory_space<hbm>>
    tpu.enqueue_dma source(%arg9 : memref<128x200xi32, #tpu.memory_space<vmem>>) target(%dma_start3A_17 : memref<128x200xi32, #tpu.memory_space<hbm>>) target_semaphore(%arg13 : memref<!tpu.dma_semaphore, #tpu.memory_space<semaphore_mem>>)
    %scan3A_18 = arith.constant 0 : i32
    %scan3A_19 = arith.constant 0 : i32
    %scan3A_20 = arith.constant 128 : i32
    %scan3A_21 = arith.addi %scan3A_19, %scan3A_20 : i32
    %scan3A_22 = arith.constant 1 : i32
    scf.for %scan3A_33 = %scan3A_19 to %scan3A_21 step %scan3A_22  : i32 {
      %dma_wait3A_34 = arith.constant 0 : i32
      %dma_wait3A_35 = arith.constant 0 : i32
      %dma_wait3A_36 = tpu.memref_slice %arg7[%dma_wait3A_34, %dma_wait3A_35] : memref<200x64xf32, #tpu.memory_space<vmem>> -> memref<192x64xf32, #tpu.memory_space<vmem>>
      %dma_wait3A_37 = arith.constant 0 : i32
      %dma_wait3A_38 = arith.constant 0 : i32
      %dma_wait3A_39 = tpu.memref_slice %arg4[%dma_wait3A_37, %dma_wait3A_38] : memref<819200x64xf32, #tpu.memory_space<hbm>> -> memref<192x64xf32, #tpu.memory_space<hbm>>
      %dma_wait3A_40 = arith.constant 0 : i32
      %dma_wait3A_41 = arith.constant 0 : i32
      %dma_wait3A_42 = tpu.memref_slice %arg7[%dma_wait3A_40, %dma_wait3A_41] : memref<200x64xf32, #tpu.memory_space<vmem>> -> memref<192x64xf32, #tpu.memory_space<vmem>>
      %dma_wait3A_43 = arith.constant 0 : i32
      %dma_wait3A_44 = arith.constant 0 : i32
      %dma_wait3A_45 = tpu.memref_slice %arg4[%dma_wait3A_43, %dma_wait3A_44] : memref<819200x64xf32, #tpu.memory_space<hbm>> -> memref<192x64xf32, #tpu.memory_space<hbm>>
      tpu.wait_dma2 semaphore(%arg11 : memref<!tpu.dma_semaphore, #tpu.memory_space<semaphore_mem>>) src(%dma_wait3A_45 : memref<192x64xf32, #tpu.memory_space<hbm>>) dst(%dma_wait3A_42 : memref<192x64xf32, #tpu.memory_space<vmem>>)
    }
    %scan3A_23 = arith.constant 128 : i32
    %scan3A_24 = arith.constant 0 : i32
    %scan3A_25 = arith.constant 0 : i32
    %scan3A_26 = arith.constant 8 : i32
    %scan3A_27 = arith.addi %scan3A_25, %scan3A_26 : i32
    %scan3A_28 = arith.constant 1 : i32
    scf.for %scan3A_33 = %scan3A_25 to %scan3A_27 step %scan3A_28  : i32 {
      %dma_wait3A_34 = arith.constant 0 : i32
      %dma_wait3A_35 = arith.constant 0 : i32
      %dma_wait3A_36 = tpu.memref_slice %arg10[%dma_wait3A_34, %dma_wait3A_35] : memref<64x64xf32, #tpu.memory_space<vmem>> -> memref<8x64xf32, #tpu.memory_space<vmem>>
      %dma_wait3A_37 = arith.constant 0 : i32
      %dma_wait3A_38 = arith.constant 0 : i32
      %dma_wait3A_39 = tpu.memref_slice %arg4[%dma_wait3A_37, %dma_wait3A_38] : memref<819200x64xf32, #tpu.memory_space<hbm>> -> memref<8x64xf32, #tpu.memory_space<hbm>>
      %dma_wait3A_40 = arith.constant 0 : i32
      %dma_wait3A_41 = arith.constant 0 : i32
      %dma_wait3A_42 = tpu.memref_slice %arg10[%dma_wait3A_40, %dma_wait3A_41] : memref<64x64xf32, #tpu.memory_space<vmem>> -> memref<8x64xf32, #tpu.memory_space<vmem>>
      %dma_wait3A_43 = arith.constant 0 : i32
      %dma_wait3A_44 = arith.constant 0 : i32
      %dma_wait3A_45 = tpu.memref_slice %arg4[%dma_wait3A_43, %dma_wait3A_44] : memref<819200x64xf32, #tpu.memory_space<hbm>> -> memref<8x64xf32, #tpu.memory_space<hbm>>
      tpu.wait_dma2 semaphore(%arg12 : memref<!tpu.dma_semaphore, #tpu.memory_space<semaphore_mem>>) src(%dma_wait3A_45 : memref<8x64xf32, #tpu.memory_space<hbm>>) dst(%dma_wait3A_42 : memref<8x64xf32, #tpu.memory_space<vmem>>)
    }
    %scan3A_29 = arith.constant 8 : i32
    %dma_wait3A = arith.constant 0 : i32
    %dma_wait3A_30 = tpu.memref_slice %arg5[%multiple_of3A, %dma_wait3A] : memref<4096x200xi32, #tpu.memory_space<hbm>> -> memref<128x200xi32, #tpu.memory_space<hbm>>
    %dma_wait3A_31 = arith.constant 0 : i32
    %dma_wait3A_32 = tpu.memref_slice %arg5[%multiple_of3A, %dma_wait3A_31] : memref<4096x200xi32, #tpu.memory_space<hbm>> -> memref<128x200xi32, #tpu.memory_space<hbm>>
    tpu.wait_dma2 semaphore(%arg13 : memref<!tpu.dma_semaphore, #tpu.memory_space<semaphore_mem>>) src(%arg9 : memref<128x200xi32, #tpu.memory_space<vmem>>) dst(%dma_wait3A_32 : memref<128x200xi32, #tpu.memory_space<hbm>>)
    return
  }
}

</mosaic_0001>

<sc_bundles>
// kernel: kernel.3.cloned.1.call-start
scs
__scs_entry_jumppad:
0x0: {  	(pc) =	sbr.rel $0x88, $3  }
0x1: {  	(tag) =	ssettag $0x0;
	lr =	simm.s32 $0x1  }
0x2: {  	[smem:$0x3F9F] =	sst lr;
	_ =	strace $0xD0000000  }
0x3: {  	_ = 	snop  }
0x4: {  	_ = 	snop  }
0x5: {  	_ = 	snop  }
0x6: {  	_ = 	snop  }
0x7: {  	_ = 	snop  }
__scs_overlays_trampoline_lowered:
0x8: {  	[smem:$0x3FAE] =	sst s0  }
0x9: {  	[smem:$0x3FAF] =	sst s1  }
0xa: {  	[smem:$0x3FB0] =	sst s2  }
0xb: {  	[smem:$0x3FB1] =	sst s3  }
0xc: {  	[smem:$0x3FB2] =	sst s4  }
0xd: {  	[smem:$0x3FB3] =	sst s5  }
0xe: {  	[smem:$0x3FB4] =	sst s6  }
0xf: {  	[smem:$0x3FB5] =	sst s7  }
0x10: {  	[smem:$0x3FB6] =	sst s8  }
0x11: {  	[smem:$0x3FB7] =	sst s9;
	s0 =	simm.s32 @!p0 $0x0  }
0x12: {  	s1 =	sld [smem:$0x3F9D];
	s0 =	simm.s32 @p0 $0x1  }
0x13: {  	[smem:$0x3FB8] =	sst s0;
	s0 =	simm.s32 @!p1 $0x0  }
0x14: {  	s2 =	sld [smem:$0x3F9C];
	s0 =	simm.s32 @p1 $0x1  }
0x15: {  	[smem:$0x3FB9] =	sst s0;
	s0 =	simm.s32 @!p2 $0x0  }
0x16: {  	s3 =	sld [smem:$0x3FDB];
	s0 =	simm.s32 @p2 $0x1  }
0x17: {  	s4 =	simm.s32 $0x1BF5;
	[smem:$0x3FBB] =	sst s0  }
0x18: {  	s0 =	sld [smem:$0x3F9E];
	_ =	swait.ge [sflag:s4], $0x0  }
0x19: {  	s7 =	sld [smem:$0x3F9F]  }
0x1a: {  	s8 =	sadd.s32 $0xFFFFE003, lr  }
0x1b: {  	s9 =	sadd.s32 $0xFFFFFEF7, lr;
	s5 =	simm.s32 $0xFFFFFFFF;
	p2 =	slt.u32 s8, $0xFFFFF086  }
0x1c: {  	p1 =	slt.u32 s9, $0xF7A;
	s5 =	simm.s32 @!p2 $0x0  }
0x1d: {  	s5 =	simm.s32 @p1 $0x1;
	p0 =	seq.s32 s7, s2  }
0x1e: {  	s7 =	smul.u32 @!p0 $0xF7A, s2;
	p2 =	seq.s32 @!p0 s5, $0x0  }
0x1f: {  	s9 =	smul.u32 $0xF7A, s1;
	s8 =	simm.s32 @!p0 $0x1BF5;
	p2 =	por !p2, p0  }
0x20: {  	[sflag:s8] =	ssyncset.s32 @!p0 $0xFFFFF086;
	s6 =	sadd.s32 @!p0 s3, s7;
	s7 =	simm.s32 @!p0 $0x108  }
0x21: {  	s3 =	sadd.s32 s3, s9;
	s6 =	sadd.s32 @!p0 $0x88, s6;
	s7 =	simm.s32 @p2 $0x1082  }
0x22: {  	[simem:s7], [sflag:s8] =	dma.local @!p0 [hbm:s6], $0xF7A  }
0x23: {  	s9 =	sor.u32 $0xD0000000, s2;
	s6 =	simm.s32 $0x108;
	_ =	swait.ge @!p0 [sflag:s8], $0x0  }
0x24: {  	s3 =	sadd.s32 $0x88, s3;
	s6 =	simm.s32 @!p1 $0x1082;
	[sflag:s4] =	ssyncset.s32 $0xFFFFF086  }
0x25: {  	[simem:s6], [sflag:s4] =	dma.local [hbm:s3], $0xF7A  }
0x26: {  	[smem:$0x3F9F] =	sst s1;
	(tag) =	ssettag s2;
	_ =	strace s9  }
0x27: {  	s1 =	sld [smem:$0x3FAF]  }
0x28: {  	s2 =	sld [smem:$0x3FB0]  }
0x29: {  	s4 =	sld [smem:$0x3FB2]  }
0x2a: {  	p0 =	seq.s32 s5, $0x0;
	s5 =	sld [smem:$0x3FB3]  }
0x2b: {  	s6 =	sld [smem:$0x3FB4]  }
0x2c: {  	s7 =	sld [smem:$0x3FB5]  }
0x2d: {  	s3 =	simm.s32 $0x108;
	s8 =	sld [smem:$0x3FB6]  }
0x2e: {  	s3 =	simm.s32 @!p0 $0x1082;
	s9 =	sld [smem:$0x3FB7]  }
0x2f: {  	lr =	sadd.s32 s0, s3;
	s0 =	sld [smem:$0x3FAE]  }
0x30: {  	s3 =	sld [smem:$0x3FB1]  }
0x31: {  	[smem:$0x3FBA] =	sst s10  }
0x32: {  	s10 =	sld [smem:$0x3FB8];
	_ =	sdelay $0x3  }
0x33: {  	p0 =	seq.s32 s10, $0x1;
	s10 =	sld [smem:$0x3FBA];
	_ =	sdelay $0x3  }
0x34: {  	[smem:$0x3FBA] =	sst s10  }
0x35: {  	s10 =	sld [smem:$0x3FB9];
	_ =	sdelay $0x3  }
0x36: {  	p1 =	seq.s32 s10, $0x1;
	s10 =	sld [smem:$0x3FBA];
	_ =	sdelay $0x3  }
0x37: {  	[smem:$0x3FBA] =	sst s10  }
0x38: {  	s10 =	sld [smem:$0x3FBB]  }
0x39: {  	_ = 	snop;
	(pc) =	sbr.ind lr, $3  }
0x3a: {  	_ = 	snop  }
0x3b: {  	_ = 	snop  }
0x3c: {  	p2 =	seq.s32 s10, $0x1;
	s10 =	sld [smem:$0x3FBA]  }
0x3d: {  	_ =	shalt  }
0x3e: {  	_ =	shalt  }
0x3f: {  	_ =	shalt  }
0x40: {  	_ =	shalt  }
0x41: {  	_ =	shalt  }
0x42: {  	_ =	shalt  }
0x43: {  	_ =	shalt  }
0x44: {  	_ =	shalt  }
0x45: {  	_ =	shalt  }
0x46: {  	_ =	shalt  }
0x47: {  	_ =	shalt  }
0x48: {  	_ =	shalt  }
0x49: {  	_ =	shalt  }
0x4a: {  	_ =	shalt  }
0x4b: {  	_ =	shalt  }
0x4c: {  	_ =	shalt  }
0x4d: {  	_ =	shalt  }
0x4e: {  	_ =	shalt  }
0x4f: {  	_ =	shalt  }
0x50: {  	_ =	shalt  }
0x51: {  	_ =	shalt  }
0x52: {  	_ =	shalt  }
0x53: {  	_ =	shalt  }
0x54: {  	_ =	shalt  }
0x55: {  	_ =	shalt  }
0x56: {  	_ =	shalt  }
0x57: {  	_ =	shalt  }
0x58: {  	_ =	shalt  }
0x59: {  	_ =	shalt  }
0x5a: {  	_ =	shalt  }
0x5b: {  	_ =	shalt  }
0x5c: {  	_ =	shalt  }
0x5d: {  	_ =	shalt  }
0x5e: {  	_ =	shalt  }
0x5f: {  	_ =	shalt  }
0x60: {  	_ =	shalt  }
0x61: {  	_ =	shalt  }
0x62: {  	_ =	shalt  }
0x63: {  	_ =	shalt  }
0x64: {  	_ =	shalt  }
0x65: {  	_ =	shalt  }
0x66: {  	_ =	shalt  }
0x67: {  	_ =	shalt  }
0x68: {  	_ =	shalt  }
0x69: {  	_ =	shalt  }
0x6a: {  	_ =	shalt  }
0x6b: {  	_ =	shalt  }
0x6c: {  	_ =	shalt  }
0x6d: {  	_ =	shalt  }
0x6e: {  	_ =	shalt  }
0x6f: {  	_ =	shalt  }
0x70: {  	_ =	shalt  }
0x71: {  	_ =	shalt  }
0x72: {  	_ =	shalt  }
0x73: {  	_ =	shalt  }
0x74: {  	_ =	shalt  }
0x75: {  	_ =	shalt  }
0x76: {  	_ =	shalt  }
0x77: {  	_ =	shalt  }
0x78: {  	_ =	shalt  }
0x79: {  	_ =	shalt  }
0x7a: {  	_ =	shalt  }
0x7b: {  	_ =	shalt  }
0x7c: {  	_ =	shalt  }
0x7d: {  	_ =	shalt  }
0x7e: {  	_ =	shalt  }
0x7f: {  	_ =	shalt  }
0x80: {  	_ =	shalt  }
0x81: {  	_ =	shalt  }
0x82: {  	_ =	shalt  }
0x83: {  	_ =	shalt  }
0x84: {  	_ =	shalt  }
0x85: {  	_ =	shalt  }
0x86: {  	_ =	shalt  }
0x87: {  	_ =	shalt  }
.Lfunc_end0:
.L_simem_size_0:
called_computation.1_lowered:
.L_overlay_start_0:
0x88: {  	s2 =	sld [smem:$0x3FD9]  }
0x89: {  	s3 =	sld [smem:$0x3FFE];
	_ =	sdelay $0x1  }
0x8a: {  	s1 =	srdreg.scid  }
0x8b: {  	s0 =	sand.u32 $0x1, s1  }
0x8c: {  	s14 =	sshll.u32 s0, $0xA;
	s2 =	sadd.s32 s3, s2  }
0x8d: {  	s2 =	sadd.s32 s2, s14  }
0x8e: {  	[smem:$0x3FC6] =	sst s2  }
0x8f: {  	_ = 	snop  }
0x90: {  	s2 =	sld [smem:$0x3FD0];
	_ =	sdelay $0x2  }
0x91: {  	s4 =	simm.s32 $0xA;
	s5 =	simm.s32 $0x10;
	s15 =	sld [smem:$0x3FC9]  }
0x92: {  	[smem:s5], [sflag:s4] =	dma.local [hbm:s2], $0x1  }
0x93: {  	_ =	swait.eq [sflag:s4], $0x1  }
0x94: {  	[sflag:s4] =	ssyncset.done $0x0  }
0x95: {  	[sflag:s4] =	ssyncadd.s32 $0xFFFFFFFF  }
0x96: {  	s16 =	sld [smem:$0x11];
	(tm) =	ssettm $0x1  }
0x97: {  	s17 =	sld [smem:$0x3FFB];
	_ =	sdelay $0x3  }
0x98: {  	_ =	strace s17  }
0x99: {  	s4 =	sld [smem:$0x3FFC];
	_ =	sdelay $0x3  }
0x9a: {  	_ =	strace s4  }
0x9b: {  	s4 =	sld [smem:$0x3FFD];
	_ =	sdelay $0x3  }
0x9c: {  	_ =	strace s4  }
0x9d: {  	_ =	strace $0x8FFFFFFF  }
0x9e: {  	s18 =	sld [smem:$0x3FDB];
	_ =	sdelay $0x1  }
0x9f: {  	s19 =	simm.s32 $_scs_section_size  }
0xa0: {  	s6 =	simm.s32 $_size__tile_overlayer_lowered;
	s7 =	simm.s32 $_tile_overlayer_lowered  }
0xa1: {  	s22 =	simm.s32 $0x1BFF;
	s21 =	sshll.u32 s7, $0x1;
	s4 =	sadd.s32 s19, s18  }
0xa2: {  	s8 =	simm.s32 $0x0;
	s20 =	sshll.u32 s6, $0x1;
	s6 =	sadd.s32 s21, s4  }
0xa3: {  	[timem:s8], [sflag:s22] =	dma.local [hbm:s6], s20  }
0xa4: {  	_ =	swait.ge [sflag:s22], s20  }
0xa5: {  	s5 =	ssub.s32 $0x0, s20;
	[sflag:s22] =	ssyncset.done $0x0  }
0xa6: {  	[sflag:s22] =	ssyncadd.s32 s5;
	_ =	sdelay $0x1  }
0xa7: {  	s23 =	simm.s32 $0x1B8B  }
0xa8: {  	_ =	swait.ge [sflag:s23], $0x1  }
0xa9: {  	[sflag:s23] =	ssyncset.done $0x0  }
0xaa: {  	s25 =	simm.s32 $0x1B8E;
	s24 =	sld [smem:$0x3FFE];
	[sflag:s23] =	ssyncadd.s32 $0xFFFFFFFF  }
0xab: {  	s26 =	simm.s32 $execute0_lowered;
	[smem:$0x3FD2] =	sst s25  }
0xac: {  	s6 =	sshll.u32 s26, $0x1;
	_ =	strace $0x80000046;
	[dreg:$0x1] =	wrdreg $0xFFFFFFFF  }
0xad: {  	s28 =	simm.s32 $_size_execute0_lowered;
	s4 =	sadd.s32 s4, s6;
	[dreg:$0x0] =	wrdreg $0x0  }
0xae: {  	s6 =	sshll.u32 s28, $0x1;
	[dreg:$0x2] =	wrdreg s4  }
0xaf: {  	[dreg:$0x3] =	wrdreg s6  }
0xb0: {  	[dreg:$0x4] =	wrdreg $0xC0  }
0xb1: {  	_ =	task [dreg:s8], $0x5FFFF  }
0xb2: {  	[dreg:$0x1] =	wrdreg $0xFFFFFFFF  }
0xb3: {  	[dreg:$0x0] =	wrdreg $0x60  }
0xb4: {  	[dreg:$0x2] =	wrdreg s15  }
0xb5: {  	[dreg:$0x3] =	wrdreg s16  }
0xb6: {  	[dreg:$0x4] =	wrdreg s24  }
0xb7: {  	[dreg:$0x5] =	wrdreg $0x9  }
0xb8: {  	_ =	task.clear_ibuf [dreg:s8], $0x6FFFF;
	_ =	strace $0x90000046  }
0xb9: {  	s29 =	simm.s32 $0x9;
	_ =	strace $0x80000048  }
0xba: {  	_ =	swait.ge [sflag:s29], $0x1  }
0xbb: {  	[sflag:s29] =	ssyncadd.s32 $0xFFFFFFFF  }
0xbc: {  	_ =	strace $0x90000048  }
0xbd: {  	_ =	sfence  }
0xbe: {  	s30 =	sld [smem:$0x0];
	_ =	sdelay $0x2  }
0xbf: {  	s31 =	sshll.u32 s1, $0xD;
	s1 =	sshrl.u32 s1, $0x2  }
0xc0: {  	s3 =	sand.u32 $0x4000, s31;
	s1 =	sadd.s32 s1, s30  }
0xc1: {  	s0 =	sor.u32 s3, s0;
	s1 =	sshll.u32 s1, $0x11  }
0xc2: {  	s0 =	sor.u32 s1, s0  }
0xc3: {  	s0 =	sadd.s32 $0x8F2B, s0  }
0xc4: {  	[sflag:s0] =	ssyncadd.remote.s32 $0x1  }
0xc5: {  	_ =	sfence.sel $0xFFFF  }
0xc6: {  	[dreg:$0x0] =	wrdreg $0xFFFFFFFF;
	(pc) =	sbr.abs _section_cstart, $3  }
0xc7: {  	[dreg:$0x1] =	wrdreg $0xFFFFFFFF  }
0xc8: {  	_ =	task.clear_ibuf [dreg:s8], $0x2FFFF;
	_ =	strace $0x9FFFFFFF  }
0xc9: {  	(tm) =	ssettm $0x7FFFFFFF  }
tec
execute0_lowered:
.L_overlay_start_1:
0x0: {  	(tag) =	ssettag $0x1  }
0x1: {  	s0 =	rddreg [dreg:$0x0]  }
0x2: {  	s2 =	rddreg [dreg:$0x2]  }
0x3: {  	s3 =	simm.s32 $0x0;
	s4 =	srdreg.scid;
	s1 =	stileid.u32  }
0x4: {  	s31 =	simm.f32 $0.0e+00;
	s13 =	simm.s32 $0x1;
	s14 =	simm.s32 $0x2  }
0x5: {  	s15 =	simm.s32 $0x3;
	s16 =	simm.s32 $0x0;
	[smem:$0x7FF] =	sst s3  }
0x6: {  	s5 =	sand.u32 $0x1, s4;
	s6 =	sshll.u32 s1, $0x8;
	s26 =	smul.u32 $0xC8000, s1  }
0x7: {  	s4 =	sadd.s32 $0x20E00, s2;
	s11 =	smul.u32 $0xC800, s1;
	_ =	strace $0x80000047  }
0x8: {  	v13 =	vlaneseq.u32;
	s7 =	sshll.u32 s5, $0x7;
	s9 =	ssub.s32 $0x2, s5;
	s10 =	smul.u32 $0x64000, s5  }
0x9: {  	v0 =	vimm.f32 $0.0e+00;
	v1 =	vadd.s32 $0x1, v13;
	s29 =	smul.u32 $0x6400, s5;
	[dreg:$0x4] =	wrdreg s31;
	s6 =	sor.u32 s7, s6  }
0xa: {  	v2 =	vadd.s32 $0x11, v13;
	v3 =	vadd.s32 $0x21, v13;
	v4 =	vadd.s32 $0x31, v13;
	s28 =	sshrl.u32 s9, $0x1;
	s30 =	sadd.s32 s26, s4;
	s8 =	sshll.u32 s6, $0x5  }
0xb: {  	v5 =	vadd.s32 $0x41, v13;
	v6 =	vadd.s32 $0x51, v13;
	v7 =	vadd.s32 $0x61, v13;
	s6 =	sshrl.u32 s6, $0x3;
	s2 =	sadd.s32 s8, s2;
	s8 =	ssub.s32 s9, s28  }
0xc: {  	v8 =	vadd.s32 $0x71, v13;
	v9 =	vadd.s32 $0x81, v13;
	v10 =	vadd.s32 $0x91, v13;
	s5 =	sadd.s32 s0, s6;
	s9 =	sadd.s32 s29, s11;
	s6 =	sadd.s32 $0xE00, s2  }
0xd: {  	v11 =	vadd.s32 $0xA1, v13;
	v12 =	vadd.s32 $0xB1, v13;
	v13 =	vadd.s32 $0xB9, v13;
	s7 =	smax.u32 s8, $0x1;
	s8 =	sadd.s32 s10, s30;
	s10 =	simm.s32 $0x4  }
.LBB2_1:
0xe: {  	[tilespmem:s3], [sflag:$0x4] =	stream.linear.gather [hbm4b:s5+s3], $0x80, $0x38;
	[tilespmem:$0x14500] =	vst v63  }
0xf: {  	_ =	swait.ge [sflag:s10], $0x80  }
0x10: {  	[sflag:s10] =	ssyncset.done $0x0  }
0x11: {  	[sflag:s10] =	ssyncadd.s32 $0xFFFFFF80  }
0x12: {  	s1 =	simm.s32 $0x100;
	s31 =	simm.s32 $0x0;
	s0 =	rddreg [dreg:$0x1]  }
0x13: {  	[tilespmem:s1], [sflag:$0x4] =	stream.linear.gather [hbm4b:s0+s3], $0x6400, $0x38;
	[tilespmem:$0x14500] =	vst v63  }
0x14: {  	s0 =	sand.u32 $0xFFFFFFC0, s31  }
0x15: {  	s2 =	simm.s32 $0x0;
	_ =	swait.ge [sflag:s10], $0x6400;
	s0 =	ssub.s32 $0x0, s0  }
0x16: {  	s2 =	sand.u32 $0x3FFFFF80, s2;
	[sflag:s10] =	ssyncset.done $0x0;
	s17 =	sand.u32 $0xFFFFFF80, s0  }
0x17: {  	s18 =	sand.u32 $0x70, s0;
	s0 =	simm.s32 $0x1;
	s2 =	sadd.s32 s17, s2  }
0x18: {  	[sflag:s10] =	ssyncadd.s32 $0xFFFF9C00;
	s20 =	sor.u32 s18, s2;
	s2 =	simm.s32 $0x0  }
.LBB2_2:
0x19: {  	s17 =	sshll.u32 s0, $0x4  }
0x1a: {  	p0 =	sne.s32 s0, $0x1FF;
	[tilespmem:s20+$0x6500] =	vst v0;
	s18 =	smov.u32 s0;
	s0 =	sadd.s32 $0x1, s0  }
.Ltmp0:
0x1b: {  	s2 =	sadd.s32 $0x10, s2;
	s17 =	sand.u32 $0xFFFFFFC0, s17;
	(pc) =	sbr.rel @p0 .LBB2_2-.Ltmp0, $4  }
0x1c: {  	s18 =	sshll.u32 s18, $0x5;
	s17 =	ssub.s32 s2, s17  }
0x1d: {  	s18 =	sand.u32 $0x3FFFFF80, s18;
	s19 =	sand.u32 $0xFFFFFF80, s17  }
0x1e: {  	s17 =	sand.u32 $0x70, s17;
	s18 =	sadd.s32 s19, s18  }
0x1f: {  	s20 =	sor.u32 s17, s18  }
0x20: {  	s17 =	simm.s32 $0x0  }
0x21: {  	s18 =	simm.s32 $0x0;
	s19 =	simm.s32 $0x0;
	[tilespmem:s20+$0x6500] =	vst v0;
	s20 =	smov.u32 s8  }
0x22: {  	s21 =	simm.s32 $0x0;
	s22 =	simm.s32 $0x0;
	s23 =	simm.s32 $0x0  }
.LBB2_4:
0x23: {  	v14 =	vld [tilespmem:s17+$0x0];
	_ =	sdelay $0x4  }
0x24: {  	(v2sf) =	vpush v14, $0x0;
	_ =	sdelay $0xe  }
0x25: {  	s2 =	spop (v2sf)  }
0x26: {  	s28 =	sshrl.u32 s2, $0x3  }
0x27: {  	s0 =	sand.u32 $0x10, s28  }
0x28: {  	p0 =	seq.s32 s0, $0x0  }
0x29: {  	s31 =	sand.u32 $0x40, s2;
	s24 =	simm.s32 @!p0 $0x0;
	s25 =	simm.s32 @!p0 $0x100  }
0x2a: {  	[hbm4b:s20+s24] =	stream.linear.scatter @!p0 [tilespmem:s25], [sflag:$0x1], $0x4000, $0x38;
	[tilespmem:$0x14500] =	vst v63  }
0x2b: {  	p0 =	seq.s32 s31, $0x0  }
0x2c: {  	s1 =	sand.u32 $0x4, s28;
	s24 =	sshll.u32 @!p0 s0, $0xA;
	s0 =	sshll.u32 @!p0 s0, $0x7  }
0x2d: {  	s25 =	simm.s32 @!p0 $0x0;
	s24 =	sor.u32 @!p0 $0x100, s24;
	s0 =	sadd.s32 @!p0 s0, s20  }
0x2e: {  	[hbm4b:s0+s25] =	stream.linear.scatter @!p0 [tilespmem:s24], [sflag:$0x1], $0x2000, $0x38;
	[tilespmem:$0x14500] =	vst v63  }
0x2f: {  	p0 =	seq.s32 s1, $0x0  }
0x30: {  	s24 =	sand.u32 $0xC0, s2;
	s25 =	sshll.u32 @!p0 s2, $0x4  }
0x31: {  	s11 =	sand.u32 $0x2, s28;
	s26 =	sshll.u32 @!p0 s24, $0x7;
	s25 =	sand.u32 @!p0 $0xC00, s25  }
0x32: {  	s29 =	simm.s32 @!p0 $0x0;
	s26 =	sadd.s32 @!p0 $0x100, s26;
	s25 =	sadd.s32 @!p0 s25, s20  }
0x33: {  	[hbm4b:s25+s29] =	stream.linear.scatter @!p0 [tilespmem:s26], [sflag:$0x1], $0x1000, $0x38;
	[tilespmem:$0x14500] =	vst v63  }
0x34: {  	s25 =	sshll.u32 s1, $0x3;
	p0 =	seq.s32 s11, $0x0  }
0x35: {  	s0 =	sadd.s32 @!p0 s25, s24;
	s29 =	sadd.s32 @!p0 s22, s9  }
0x36: {  	s30 =	sor.u32 s24, s25;
	s0 =	sadd.s32 @!p0 s0, s29  }
0x37: {  	s29 =	sshll.u32 @!p0 s30, $0x7;
	s0 =	sshll.u32 @!p0 s0, $0x4  }
0x38: {  	s31 =	simm.s32 @!p0 $0x0;
	s29 =	sadd.s32 @!p0 $0x100, s29;
	s0 =	sadd.s32 @!p0 s4, s0  }
0x39: {  	[hbm4b:s0+s31] =	stream.linear.scatter @!p0 [tilespmem:s29], [sflag:$0x1], $0x800, $0x38;
	[tilespmem:$0x14500] =	vst v63  }
0x3a: {  	s29 =	sand.u32 $0x1, s28  }
0x3b: {  	p0 =	seq.s32 s29, $0x0  }
0x3c: {  	s26 =	sshll.u32 s11, $0x3;
	s0 =	sadd.s32 @!p0 s25, s24  }
0x3d: {  	s31 =	sadd.s32 @!p0 s22, s9;
	s0 =	sadd.s32 @!p0 s26, s0  }
0x3e: {  	s30 =	sor.u32 s26, s30;
	s0 =	sadd.s32 @!p0 s0, s31  }
0x3f: {  	s30 =	sshll.u32 @!p0 s30, $0x7;
	s0 =	sshll.u32 @!p0 s0, $0x4  }
0x40: {  	s30 =	sadd.s32 @!p0 $0x100, s30;
	s31 =	simm.s32 @!p0 $0x0;
	s0 =	sadd.s32 @!p0 s4, s0  }
0x41: {  	[hbm4b:s0+s31] =	stream.linear.scatter @!p0 [tilespmem:s30], [sflag:$0x1], $0x400, $0x38;
	[tilespmem:$0x14500] =	vst v63  }
0x42: {  	p0 =	slt.u32 s23, $0x8  }
0x43: {  	s0 =	simm.s32 @!p0 $0x2  }
0x44: {  	_ =	swait.ge @!p0 [sflag:s0], $0x400  }
0x45: {  	s31 =	sshll.u32 s2, $0x7;
	[sflag:s0] =	ssyncset.done @!p0 $0x0  }
0x46: {  	s12 =	sand.u32 $0xFFFFFC00, s31;
	[sflag:s0] =	ssyncadd.s32 @!p0 $0xFFFFFC00  }
0x47: {  	v14 =	vld [tilespmem:s12+$0x100];
	_ =	sdelay $0x1  }
0x48: {  	s2 =	sand.u32 $0x7, s2  }
0x49: {  	s1 =	rddreg [dreg:$0x4];
	p0 =	seq.s32 s2, $0x0  }
0x4a: {  	s1 =	simm.s32 @!p0 $0x3F800000  }
0x4b: {  	v14 =	vmul.f32 s1, v14  }
0x4c: {  	s30 =	sand.u32 $0x1C00, s18  }
0x4d: {  	[tilespmem:s30+$0x12500] =	vst v14  }
0x4e: {  	v14 =	vld [tilespmem:s12+$0x110];
	_ =	sdelay $0x4  }
0x4f: {  	v14 =	vmul.f32 s1, v14;
	_ =	sdelay $0x1  }
0x50: {  	[tilespmem:s30+$0x12510] =	vst v14  }
0x51: {  	v14 =	vld [tilespmem:s12+$0x120];
	_ =	sdelay $0x4  }
0x52: {  	v14 =	vmul.f32 s1, v14;
	_ =	sdelay $0x1  }
0x53: {  	[tilespmem:s30+$0x12520] =	vst v14  }
0x54: {  	v14 =	vld [tilespmem:s12+$0x130];
	_ =	sdelay $0x4  }
0x55: {  	v14 =	vmul.f32 s1, v14;
	_ =	sdelay $0x1  }
0x56: {  	[tilespmem:s30+$0x12530] =	vst v14  }
0x57: {  	v14 =	vld [tilespmem:s12+$0x180];
	_ =	sdelay $0x2  }
0x58: {  	p0 =	sgt.u32 s2, $0x1;
	s1 =	simm.f32 $1.000000000e+00  }
0x59: {  	s1 =	simm.s32 @!p0 $0x0  }
0x5a: {  	v14 =	vmul.f32 s1, v14;
	_ =	sdelay $0x1  }
0x5b: {  	[tilespmem:s30+$0x12580] =	vst v14  }
0x5c: {  	v14 =	vld [tilespmem:s12+$0x190];
	_ =	sdelay $0x4  }
0x5d: {  	v14 =	vmul.f32 s1, v14;
	_ =	sdelay $0x1  }
0x5e: {  	[tilespmem:s30+$0x12590] =	vst v14  }
0x5f: {  	v14 =	vld [tilespmem:s12+$0x1A0];
	_ =	sdelay $0x4  }
0x60: {  	v14 =	vmul.f32 s1, v14;
	_ =	sdelay $0x1  }
0x61: {  	[tilespmem:s30+$0x125A0] =	vst v14  }
0x62: {  	v14 =	vld [tilespmem:s12+$0x1B0];
	_ =	sdelay $0x4  }
0x63: {  	v14 =	vmul.f32 s1, v14;
	_ =	sdelay $0x1  }
0x64: {  	[tilespmem:s30+$0x125B0] =	vst v14  }
0x65: {  	v14 =	vld [tilespmem:s12+$0x200];
	_ =	sdelay $0x2  }
0x66: {  	p0 =	sgt.u32 s2, $0x2;
	s1 =	simm.f32 $1.000000000e+00  }
0x67: {  	s1 =	simm.s32 @!p0 $0x0  }
0x68: {  	v14 =	vmul.f32 s1, v14;
	_ =	sdelay $0x1  }
0x69: {  	[tilespmem:s30+$0x12600] =	vst v14  }
0x6a: {  	v14 =	vld [tilespmem:s12+$0x210];
	_ =	sdelay $0x4  }
0x6b: {  	v14 =	vmul.f32 s1, v14;
	_ =	sdelay $0x1  }
0x6c: {  	[tilespmem:s30+$0x12610] =	vst v14  }
0x6d: {  	v14 =	vld [tilespmem:s12+$0x220];
	_ =	sdelay $0x4  }
0x6e: {  	v14 =	vmul.f32 s1, v14;
	_ =	sdelay $0x1  }
0x6f: {  	[tilespmem:s30+$0x12620] =	vst v14  }
0x70: {  	v14 =	vld [tilespmem:s12+$0x230];
	_ =	sdelay $0x4  }
0x71: {  	v14 =	vmul.f32 s1, v14;
	_ =	sdelay $0x1  }
0x72: {  	[tilespmem:s30+$0x12630] =	vst v14  }
0x73: {  	v14 =	vld [tilespmem:s12+$0x280];
	_ =	sdelay $0x2  }
0x74: {  	p0 =	sgt.u32 s2, $0x3;
	s1 =	simm.f32 $1.000000000e+00  }
0x75: {  	s1 =	simm.s32 @!p0 $0x0  }
0x76: {  	v14 =	vmul.f32 s1, v14;
	_ =	sdelay $0x1  }
0x77: {  	[tilespmem:s30+$0x12680] =	vst v14  }
0x78: {  	v14 =	vld [tilespmem:s12+$0x290];
	_ =	sdelay $0x4  }
0x79: {  	v14 =	vmul.f32 s1, v14;
	_ =	sdelay $0x1  }
0x7a: {  	[tilespmem:s30+$0x12690] =	vst v14  }
0x7b: {  	v14 =	vld [tilespmem:s12+$0x2A0];
	_ =	sdelay $0x4  }
0x7c: {  	v14 =	vmul.f32 s1, v14;
	_ =	sdelay $0x1  }
0x7d: {  	[tilespmem:s30+$0x126A0] =	vst v14  }
0x7e: {  	v14 =	vld [tilespmem:s12+$0x2B0];
	_ =	sdelay $0x4  }
0x7f: {  	v14 =	vmul.f32 s1, v14;
	_ =	sdelay $0x1  }
0x80: {  	[tilespmem:s30+$0x126B0] =	vst v14  }
0x81: {  	v14 =	vld [tilespmem:s12+$0x300];
	_ =	sdelay $0x2  }
0x82: {  	p0 =	sgt.u32 s2, $0x4;
	s1 =	simm.f32 $1.000000000e+00  }
0x83: {  	s1 =	simm.s32 @!p0 $0x0  }
0x84: {  	v14 =	vmul.f32 s1, v14;
	_ =	sdelay $0x1  }
0x85: {  	[tilespmem:s30+$0x12700] =	vst v14  }
0x86: {  	v14 =	vld [tilespmem:s12+$0x310];
	_ =	sdelay $0x4  }
0x87: {  	v14 =	vmul.f32 s1, v14;
	_ =	sdelay $0x1  }
0x88: {  	[tilespmem:s30+$0x12710] =	vst v14  }
0x89: {  	v14 =	vld [tilespmem:s12+$0x320];
	_ =	sdelay $0x4  }
0x8a: {  	v14 =	vmul.f32 s1, v14;
	_ =	sdelay $0x1  }
0x8b: {  	[tilespmem:s30+$0x12720] =	vst v14  }
0x8c: {  	v14 =	vld [tilespmem:s12+$0x330];
	_ =	sdelay $0x4  }
0x8d: {  	v14 =	vmul.f32 s1, v14;
	_ =	sdelay $0x1  }
0x8e: {  	[tilespmem:s30+$0x12730] =	vst v14  }
0x8f: {  	v14 =	vld [tilespmem:s12+$0x380];
	_ =	sdelay $0x2  }
0x90: {  	p0 =	sgt.u32 s2, $0x5;
	s1 =	simm.f32 $1.000000000e+00  }
0x91: {  	s1 =	simm.s32 @!p0 $0x0  }
0x92: {  	v14 =	vmul.f32 s1, v14;
	_ =	sdelay $0x1  }
0x93: {  	[tilespmem:s30+$0x12780] =	vst v14  }
0x94: {  	v14 =	vld [tilespmem:s12+$0x390];
	_ =	sdelay $0x4  }
0x95: {  	v14 =	vmul.f32 s1, v14;
	_ =	sdelay $0x1  }
0x96: {  	[tilespmem:s30+$0x12790] =	vst v14  }
0x97: {  	v14 =	vld [tilespmem:s12+$0x3A0];
	_ =	sdelay $0x4  }
0x98: {  	v14 =	vmul.f32 s1, v14;
	_ =	sdelay $0x1  }
0x99: {  	[tilespmem:s30+$0x127A0] =	vst v14  }
0x9a: {  	v14 =	vld [tilespmem:s12+$0x3B0];
	_ =	sdelay $0x4  }
0x9b: {  	v14 =	vmul.f32 s1, v14;
	_ =	sdelay $0x1  }
0x9c: {  	[tilespmem:s30+$0x127B0] =	vst v14  }
0x9d: {  	v14 =	vld [tilespmem:s12+$0x400];
	_ =	sdelay $0x2  }
0x9e: {  	p0 =	seq.s32 s2, $0x7;
	s1 =	simm.f32 $1.000000000e+00  }
0x9f: {  	s1 =	simm.s32 @!p0 $0x0  }
0xa0: {  	v14 =	vmul.f32 s1, v14;
	_ =	sdelay $0x1  }
0xa1: {  	[tilespmem:s30+$0x12800] =	vst v14  }
0xa2: {  	v14 =	vld [tilespmem:s12+$0x410];
	_ =	sdelay $0x4  }
0xa3: {  	v14 =	vmul.f32 s1, v14;
	_ =	sdelay $0x1  }
0xa4: {  	[tilespmem:s30+$0x12810] =	vst v14  }
0xa5: {  	v14 =	vld [tilespmem:s12+$0x420];
	_ =	sdelay $0x4  }
0xa6: {  	v14 =	vmul.f32 s1, v14;
	_ =	sdelay $0x1  }
0xa7: {  	[tilespmem:s30+$0x12820] =	vst v14  }
0xa8: {  	v14 =	vld [tilespmem:s12+$0x430];
	_ =	sdelay $0x4  }
0xa9: {  	v14 =	vmul.f32 s1, v14;
	_ =	sdelay $0x1  }
0xaa: {  	s11 =	sor.u32 $0x380, s31;
	[tilespmem:s30+$0x12830] =	vst v14  }
0xab: {  	v14 =	vld [tilespmem:s11+$0x100];
	_ =	sdelay $0x4  }
0xac: {  	v14 =	vmul.f32 $0.0e+00, v14;
	_ =	sdelay $0x1  }
0xad: {  	s12 =	sor.u32 $0x390, s31;
	[tilespmem:s30+$0x12880] =	vst v14  }
0xae: {  	v14 =	vld [tilespmem:s12+$0x100];
	_ =	sdelay $0x4  }
0xaf: {  	v14 =	vmul.f32 $0.0e+00, v14;
	_ =	sdelay $0x1  }
0xb0: {  	s1 =	sor.u32 $0x3A0, s31;
	[tilespmem:s30+$0x12890] =	vst v14  }
0xb1: {  	v14 =	vld [tilespmem:s1+$0x100];
	_ =	sdelay $0x4  }
0xb2: {  	v14 =	vmul.f32 $0.0e+00, v14;
	_ =	sdelay $0x1  }
0xb3: {  	s2 =	sor.u32 $0x3B0, s31;
	[tilespmem:s30+$0x128A0] =	vst v14  }
0xb4: {  	v14 =	vld [tilespmem:s2+$0x100];
	_ =	sdelay $0x1  }
0xb5: {  	s11 =	sadd.s32 s25, s24  }
0xb6: {  	s0 =	sshll.u32 s29, $0x3;
	s1 =	sadd.s32 s26, s11;
	s2 =	ssub.s32 $0x18, s28  }
0xb7: {  	s12 =	sadd.s32 s22, s9;
	s1 =	sadd.s32 s0, s1;
	s31 =	sand.u32 $0x10, s2  }
0xb8: {  	s1 =	sadd.s32 s1, s12;
	p0 =	seq.s32 s31, $0x0;
	v14 =	vmul.f32 $0.0e+00, v14  }
0xb9: {  	s1 =	sshll.u32 s1, $0x4;
	s28 =	sadd.s32 @!p0 s25, s24  }
0xba: {  	s29 =	sadd.s32 $0x12500, s30;
	s1 =	sadd.s32 s4, s1;
	s28 =	sadd.s32 @!p0 s26, s28;
	[tilespmem:s30+$0x128B0] =	vst v14  }
0xbb: {  	[hbm4b:s1+s3] =	stream.linear.scatter [tilespmem:s29], [sflag:$0x2], $0x400, $0x38;
	[tilespmem:$0x14500] =	vst v63  }
0xbc: {  	s28 =	sadd.s32 @!p0 s0, s28;
	s29 =	sadd.s32 @!p0 s22, s9  }
0xbd: {  	s28 =	sadd.s32 @!p0 s28, s29  }
0xbe: {  	s28 =	sshll.u32 @!p0 s28, $0x4  }
0xbf: {  	s11 =	sand.u32 $0x8, s2;
	s28 =	sadd.s32 @!p0 s4, s28  }
0xc0: {  	s30 =	simm.s32 @!p0 $0x6500;
	s29 =	simm.s32 @!p0 $0x0;
	s28 =	sadd.s32 @!p0 $0x80, s28  }
0xc1: {  	[hbm4b:s28+s29] =	stream.linear.scatter @!p0 [tilespmem:s30], [sflag:$0x1], $0x4000, $0x38;
	[tilespmem:$0x14500] =	vst v63  }
0xc2: {  	s1 =	sshll.u32 s31, $0x3;
	p0 =	seq.s32 s11, $0x0  }
0xc3: {  	s29 =	sadd.s32 @!p0 s24, s1  }
0xc4: {  	s29 =	sadd.s32 @!p0 s25, s29  }
0xc5: {  	s29 =	sadd.s32 @!p0 s26, s29  }
0xc6: {  	s30 =	sadd.s32 @!p0 s22, s9;
	s29 =	sadd.s32 @!p0 s0, s29  }
0xc7: {  	s29 =	sadd.s32 @!p0 s29, s30  }
0xc8: {  	s29 =	sshll.u32 @!p0 s29, $0x4  }
0xc9: {  	s29 =	sadd.s32 @!p0 $0x80, s29  }
0xca: {  	s12 =	sand.u32 $0x4, s2;
	s29 =	sand.u32 @!p0 $0xFFFFF80, s29  }
0xcb: {  	s31 =	simm.s32 @!p0 $0x6500;
	s30 =	simm.s32 @!p0 $0x0;
	s29 =	sadd.s32 @!p0 s4, s29  }
0xcc: {  	[hbm4b:s29+s30] =	stream.linear.scatter @!p0 [tilespmem:s31], [sflag:$0x1], $0x2000, $0x38;
	[tilespmem:$0x14500] =	vst v63  }
0xcd: {  	p0 =	seq.s32 s12, $0x0  }
0xce: {  	s28 =	sshll.u32 s11, $0x3;
	s30 =	sadd.s32 @!p0 s24, s1  }
0xcf: {  	s30 =	sadd.s32 @!p0 s28, s30  }
0xd0: {  	s30 =	sadd.s32 @!p0 s25, s30  }
0xd1: {  	s30 =	sadd.s32 @!p0 s26, s30  }
0xd2: {  	s31 =	sadd.s32 @!p0 s22, s9;
	s30 =	sadd.s32 @!p0 s0, s30  }
0xd3: {  	s30 =	sadd.s32 @!p0 s30, s31  }
0xd4: {  	s30 =	sshll.u32 @!p0 s30, $0x4  }
0xd5: {  	s30 =	sadd.s32 @!p0 $0x80, s30  }
0xd6: {  	s30 =	sand.u32 @!p0 $0xFFFFF80, s30  }
0xd7: {  	s11 =	simm.s32 @!p0 $0x6500;
	s31 =	simm.s32 @!p0 $0x0;
	s30 =	sadd.s32 @!p0 s4, s30  }
0xd8: {  	[hbm4b:s30+s31] =	stream.linear.scatter @!p0 [tilespmem:s11], [sflag:$0x1], $0x1000, $0x38;
	[tilespmem:$0x14500] =	vst v63  }
0xd9: {  	s11 =	sand.u32 $0x2, s2  }
0xda: {  	p0 =	seq.s32 s11, $0x0  }
0xdb: {  	s30 =	sadd.s32 @!p0 s24, s1  }
0xdc: {  	s30 =	sadd.s32 @!p0 s28, s30  }
0xdd: {  	s29 =	sshll.u32 s12, $0x3;
	s30 =	sadd.s32 @!p0 s25, s30  }
0xde: {  	s30 =	sadd.s32 @!p0 s29, s30  }
0xdf: {  	s30 =	sadd.s32 @!p0 s26, s30  }
0xe0: {  	s31 =	sadd.s32 @!p0 s22, s9;
	s30 =	sadd.s32 @!p0 s0, s30  }
0xe1: {  	s30 =	sadd.s32 @!p0 s30, s31  }
0xe2: {  	s30 =	sshll.u32 @!p0 s30, $0x4  }
0xe3: {  	s30 =	sadd.s32 @!p0 $0x80, s30  }
0xe4: {  	s2 =	sand.u32 $0x1, s2;
	s30 =	sand.u32 @!p0 $0xFFFFF80, s30  }
0xe5: {  	s12 =	simm.s32 @!p0 $0x6500;
	s31 =	simm.s32 @!p0 $0x0;
	s30 =	sadd.s32 @!p0 s4, s30  }
0xe6: {  	[hbm4b:s30+s31] =	stream.linear.scatter @!p0 [tilespmem:s12], [sflag:$0x1], $0x800, $0x38;
	[tilespmem:$0x14500] =	vst v63  }
0xe7: {  	p0 =	seq.s32 s2, $0x0  }
0xe8: {  	s1 =	sadd.s32 @!p0 s24, s1  }
0xe9: {  	s1 =	sadd.s32 @!p0 s28, s1  }
0xea: {  	s1 =	sadd.s32 @!p0 s25, s1  }
0xeb: {  	s1 =	sadd.s32 @!p0 s29, s1  }
0xec: {  	s2 =	sshll.u32 @!p0 s11, $0x3;
	s1 =	sadd.s32 @!p0 s26, s1  }
0xed: {  	s1 =	sadd.s32 @!p0 s2, s1  }
0xee: {  	s0 =	sadd.s32 @!p0 s0, s1;
	s1 =	sadd.s32 @!p0 s22, s9  }
0xef: {  	s0 =	sadd.s32 @!p0 s0, s1  }
0xf0: {  	v14 =	vmov s23;
	s0 =	sshll.u32 @!p0 s0, $0x4  }
0xf1: {  	s0 =	sadd.s32 @!p0 $0x80, s0  }
0xf2: {  	s0 =	sand.u32 @!p0 $0xFFFFF80, s0  }
0xf3: {  	s2 =	simm.s32 @!p0 $0x6500;
	s1 =	simm.s32 @!p0 $0x0;
	s0 =	sadd.s32 @!p0 s4, s0  }
0xf4: {  	[hbm4b:s0+s1] =	stream.linear.scatter @!p0 [tilespmem:s2], [sflag:$0x1], $0x400, $0x38;
	[tilespmem:$0x14500] =	vst v63  }
0xf5: {  	v14 =	vld.idx.msk [tilespmem:v14+s3+$0x0], $0xffff;
	_ =	sdelay $0x4  }
0xf6: {  	s30 =	sand.u32 $0x7800, s19;
	s31 =	sand.u32 $0x380, s21;
	vm0 =	vlt.s32 v14, v1  }
0xf7: {  	s0 =	sor.u32 s31, s30;
	vm4 =	vlt.s32 v14, v2;
	v15 =	vsel vm0, $0x0, v1  }
0xf8: {  	vm5 =	vlt.s32 v14, v3;
	[tilespmem:s0+$0xA500] =	vst v15;
	v15 =	vsel vm4, $0x0, v2  }
0xf9: {  	vm6 =	vlt.s32 v14, v4;
	[tilespmem:s0+$0xA510] =	vst v15;
	v15 =	vsel vm5, $0x0, v3  }
0xfa: {  	vm7 =	vlt.s32 v14, v5;
	[tilespmem:s0+$0xA520] =	vst v15;
	v15 =	vsel vm6, $0x0, v4  }
0xfb: {  	vm8 =	vlt.s32 v14, v6;
	[tilespmem:s0+$0xA530] =	vst v15;
	v15 =	vsel vm7, $0x0, v5  }
0xfc: {  	vm9 =	vlt.s32 v14, v7;
	[tilespmem:s0+$0xA540] =	vst v15;
	v15 =	vsel vm8, $0x0, v6  }
0xfd: {  	vm10 =	vlt.s32 v14, v8;
	[tilespmem:s0+$0xA550] =	vst v15;
	v15 =	vsel vm9, $0x0, v7  }
0xfe: {  	s22 =	sadd.s32 $0xC8, s22;
	vm11 =	vlt.s32 v14, v9;
	[tilespmem:s0+$0xA560] =	vst v15;
	v15 =	vsel vm10, $0x0, v8  }
0xff: {  	p0 =	sne.s32 s22, $0x6400;
	vm12 =	vlt.s32 v14, v10;
	[tilespmem:s0+$0xA570] =	vst v15;
	v15 =	vsel vm11, $0x0, v9  }
.Ltmp1:
0x100: {  	vm13 =	vlt.s32 v14, v11;
	[tilespmem:s0+$0xA900] =	vst v15;
	v15 =	vsel vm12, $0x0, v10;
	(pc) =	sbr.rel @p0 .LBB2_4-.Ltmp1, $4  }
0x101: {  	vm14 =	vlt.s32 v14, v12;
	[tilespmem:s0+$0xA910] =	vst v15;
	v15 =	vsel vm13, $0x0, v11  }
0x102: {  	vm15 =	vlt.s32 v14, v13;
	[tilespmem:s0+$0xA920] =	vst v15;
	v15 =	vsel vm14, $0x0, v12  }
0x103: {  	s17 =	sadd.s32 $0x1, s17;
	s20 =	sadd.s32 $0xC80, s20;
	s18 =	sadd.s32 $0x400, s18;
	v14 =	vsel vm15, $0x0, v13;
	[tilespmem:s0+$0xA930] =	vst v15  }
0x104: {  	s23 =	sadd.s32 $0x1, s23;
	s21 =	sadd.s32 $0x80, s21;
	s19 =	sadd.s32 $0x100, s19;
	[tilespmem:s0+$0xA938] =	vst v14  }
0x105: {  	s0 =	simm.s32 $0xA500  }
0x106: {  	[hbm4b:s6+s3] =	stream.linear.scatter [tilespmem:s0], [sflag:$0x3], $0x8000, $0x38;
	[tilespmem:$0x14500] =	vst v63  }
0x107: {  	_ =	swait.ge [sflag:s13], $0x6000  }
0x108: {  	s0 =	simm.s32 $0x7F;
	[sflag:s13] =	ssyncset.done $0x0  }
.LBB2_6:
0x109: {  	p0 =	sne.s32 s0, $0x1;
	s0 =	sadd.s32 $0xFFFFFFFF, s0;
	[sflag:s13] =	ssyncadd.s32 $0xFFFFA000  }
.Ltmp2:
0x10a: {  	(pc) =	sbr.rel @p0 .LBB2_6-.Ltmp2, $3  }
0x10b: {  	_ =	sdelay $0x1  }
0x10c: {  	_ =	swait.ge [sflag:s13], $0x6000  }
0x10d: {  	[sflag:s13] =	ssyncset.done $0x0  }
0x10e: {  	[sflag:s13] =	ssyncadd.s32 $0xFFFFA000  }
0x10f: {  	_ =	swait.ge [sflag:s14], $0x400  }
0x110: {  	[sflag:s14] =	ssyncset.done $0x0  }
0x111: {  	[sflag:s14] =	ssyncadd.s32 $0xFFFFFC00  }
0x112: {  	_ =	swait.ge [sflag:s14], $0x400  }
0x113: {  	[sflag:s14] =	ssyncset.done $0x0  }
0x114: {  	[sflag:s14] =	ssyncadd.s32 $0xFFFFFC00  }
0x115: {  	_ =	swait.ge [sflag:s14], $0x400  }
0x116: {  	[sflag:s14] =	ssyncset.done $0x0  }
0x117: {  	[sflag:s14] =	ssyncadd.s32 $0xFFFFFC00  }
0x118: {  	_ =	swait.ge [sflag:s14], $0x400  }
0x119: {  	[sflag:s14] =	ssyncset.done $0x0  }
0x11a: {  	[sflag:s14] =	ssyncadd.s32 $0xFFFFFC00  }
0x11b: {  	_ =	swait.ge [sflag:s14], $0x400  }
0x11c: {  	[sflag:s14] =	ssyncset.done $0x0  }
0x11d: {  	[sflag:s14] =	ssyncadd.s32 $0xFFFFFC00  }
0x11e: {  	_ =	swait.ge [sflag:s14], $0x400  }
0x11f: {  	[sflag:s14] =	ssyncset.done $0x0  }
0x120: {  	[sflag:s14] =	ssyncadd.s32 $0xFFFFFC00  }
0x121: {  	_ =	swait.ge [sflag:s14], $0x400  }
0x122: {  	[sflag:s14] =	ssyncset.done $0x0  }
0x123: {  	s16 =	sadd.s32 $0x1, s16;
	[sflag:s14] =	ssyncadd.s32 $0xFFFFFC00  }
0x124: {  	p0 =	sne.s32 s16, s7;
	_ =	swait.ge [sflag:s14], $0x400  }
.Ltmp3:
0x125: {  	[sflag:s14] =	ssyncset.done $0x0;
	(pc) =	sbr.rel @p0 .LBB2_1-.Ltmp3, $4  }
0x126: {  	[sflag:s14] =	ssyncadd.s32 $0xFFFFFC00  }
0x127: {  	_ =	swait.ge [sflag:s15], $0x8000  }
0x128: {  	[sflag:s15] =	ssyncset.done $0x0  }
0x129: {  	[sflag:s15] =	ssyncadd.s32 $0xFFFF8000  }
0x12a: {  	_ =	sfence.sel $0x180000  }
0x12b: {  	[bflag:$0x0] =	sbarrier.arrive $0xFFFF  }
0x12c: {  	_ =	strace $0x90000047  }
0x12d: {  	s0 =	stileid.u32;
	[bflag:$0x2] =	sbarrier.arrive $0xFFFF  }
0x12e: {  	p0 =	sne.s32 s0, $0x0;
	s0 =	rddreg [dreg:$0x3]  }
0x12f: {  	s0 =	sadd.s32 @!p0 $0x100000, s0  }
0x130: {  	[sflag:s0] =	ssyncadd.tile.s32 @!p0 $0x1;
	_ =	shalt  }
.Lfunc_end2:
_tile_overlayer_lowered:
.L_overlay_start_2:
0x131: {  	(tag) =	ssettag $0x2  }
0x132: {  	s0 =	rddreg [dreg:$0x0];
	s2 =	stileid.u32  }
0x133: {  	s1 =	rddreg [dreg:$0x1];
	p0 =	sne.s32 s2, $0x0  }
0x134: {  	s3 =	rddreg [dreg:$0x2];
	[bflag:$0x3] =	sbarrier.arrive $0xFFFF;
	s2 =	simm.s32 @!p0 $0x1C04  }
0x135: {  	[timem:s3], [sflag:s2] =	dma.local @!p0 [hbm:s0], s1  }
0x136: {  	s0 =	simm.s32 @!p0 $0x4  }
0x137: {  	_ =	swait.ge @!p0 [sflag:s0], s1  }
0x138: {  	s1 =	ssub.s32 @!p0 $0x0, s1;
	[sflag:s0] =	ssyncset.done @!p0 $0x0  }
0x139: {  	[sflag:s0] =	ssyncadd.s32 @!p0 s1  }
0x13a: {  	[bflag:$0x3] =	sbarrier.arrive $0xFFFF  }
0x13b: {  	_ =	shalt  }

// kernel: sparse-core-data-format-call.cloned.1.call-start
scs
called_computation_lowered:
.L_overlay_start_0:
0x0: {  	s2 =	sld [smem:$0x3FD9]  }
0x1: {  	s3 =	sld [smem:$0x3FFE];
	_ =	sdelay $0x1  }
0x2: {  	s1 =	srdreg.scid  }
0x3: {  	s0 =	sand.u32 $0x1, s1  }
0x4: {  	s15 =	sshll.u32 s0, $0xA;
	s2 =	sadd.s32 s3, s2  }
0x5: {  	s2 =	sadd.s32 s2, s15  }
0x6: {  	[smem:$0x3FC6] =	sst s2  }
0x7: {  	_ = 	snop  }
0x8: {  	s2 =	sld [smem:$0x3FD0];
	_ =	sdelay $0x2  }
0x9: {  	s16 =	simm.s32 $0xA;
	s4 =	simm.s32 $0x10  }
0xa: {  	[smem:s4], [sflag:s16] =	dma.local [hbm:s2], $0x1  }
0xb: {  	_ =	swait.eq [sflag:s16], $0x1  }
0xc: {  	[sflag:s16] =	ssyncset.done $0x0  }
0xd: {  	[sflag:s16] =	ssyncadd.s32 $0xFFFFFFFF  }
0xe: {  	s17 =	sld [smem:$0x10];
	(tm) =	ssettm $0x1  }
0xf: {  	s18 =	sld [smem:$0x3FFB];
	_ =	sdelay $0x3  }
0x10: {  	_ =	strace s18  }
0x11: {  	s3 =	sld [smem:$0x3FFC];
	_ =	sdelay $0x3  }
0x12: {  	_ =	strace s3  }
0x13: {  	s3 =	sld [smem:$0x3FFD];
	_ =	sdelay $0x3  }
0x14: {  	_ =	strace s3  }
0x15: {  	_ =	strace $0x8FFFFFFF  }
0x16: {  	s19 =	sld [smem:$0x3FDB];
	_ =	sdelay $0x1  }
0x17: {  	s20 =	simm.s32 $_scs_section_size  }
0x18: {  	s5 =	simm.s32 $_size__tile_overlayer_lowered;
	s6 =	simm.s32 $_tile_overlayer_lowered  }
0x19: {  	s23 =	simm.s32 $0x1BFF;
	s22 =	sshll.u32 s6, $0x1;
	s3 =	sadd.s32 s20, s19  }
0x1a: {  	s7 =	simm.s32 $0x0;
	s21 =	sshll.u32 s5, $0x1;
	s5 =	sadd.s32 s22, s3  }
0x1b: {  	[timem:s7], [sflag:s23] =	dma.local [hbm:s5], s21  }
0x1c: {  	_ =	swait.ge [sflag:s23], s21  }
0x1d: {  	s4 =	ssub.s32 $0x0, s21;
	[sflag:s23] =	ssyncset.done $0x0  }
0x1e: {  	[sflag:s23] =	ssyncadd.s32 s4;
	_ =	sdelay $0x1  }
0x1f: {  	s24 =	simm.s32 $0x1B8B  }
0x20: {  	_ =	swait.ge [sflag:s24], $0x1  }
0x21: {  	[sflag:s24] =	ssyncset.done $0x0  }
0x22: {  	s26 =	simm.s32 $0x1B8E;
	s25 =	sld [smem:$0x3FFE];
	[sflag:s24] =	ssyncadd.s32 $0xFFFFFFFF  }
0x23: {  	s27 =	simm.s32 $execute0_lowered;
	[smem:$0x3FD2] =	sst s26  }
0x24: {  	s5 =	sshll.u32 s27, $0x1;
	_ =	strace $0x80000049;
	[dreg:$0x1] =	wrdreg $0xFFFFFFFF  }
0x25: {  	s28 =	simm.s32 $_size_execute0_lowered;
	s3 =	sadd.s32 s3, s5;
	[dreg:$0x0] =	wrdreg $0x0  }
0x26: {  	s5 =	sshll.u32 s28, $0x1;
	[dreg:$0x2] =	wrdreg s3  }
0x27: {  	[dreg:$0x3] =	wrdreg s5  }
0x28: {  	[dreg:$0x4] =	wrdreg $0xC0  }
0x29: {  	_ =	task [dreg:s7], $0x5FFFF  }
0x2a: {  	[dreg:$0x1] =	wrdreg $0xFFFFFFFF  }
0x2b: {  	[dreg:$0x0] =	wrdreg $0x60  }
0x2c: {  	[dreg:$0x2] =	wrdreg s25  }
0x2d: {  	[dreg:$0x3] =	wrdreg s17  }
0x2e: {  	[dreg:$0x4] =	wrdreg $0x9  }
0x2f: {  	_ =	task.clear_ibuf [dreg:s7], $0x5FFFF;
	_ =	strace $0x90000049  }
0x30: {  	s29 =	simm.s32 $0x9;
	_ =	strace $0x8000004B  }
0x31: {  	_ =	swait.ge [sflag:s29], $0x1  }
0x32: {  	[sflag:s29] =	ssyncadd.s32 $0xFFFFFFFF  }
0x33: {  	_ =	strace $0x9000004B  }
0x34: {  	_ =	sfence  }
0x35: {  	s30 =	sld [smem:$0x0];
	_ =	sdelay $0x2  }
0x36: {  	s31 =	sshll.u32 s1, $0xD;
	s1 =	sshrl.u32 s1, $0x2  }
0x37: {  	s3 =	sand.u32 $0x4000, s31;
	s1 =	sadd.s32 s1, s30  }
0x38: {  	s0 =	sor.u32 s3, s0;
	s1 =	sshll.u32 s1, $0x11  }
0x39: {  	s0 =	sor.u32 s1, s0  }
0x3a: {  	s0 =	sadd.s32 $0x8F2B, s0  }
0x3b: {  	[sflag:s0] =	ssyncadd.remote.s32 $0x1  }
0x3c: {  	_ =	sfence.sel $0xFFFF  }
0x3d: {  	[dreg:$0x0] =	wrdreg $0xFFFFFFFF;
	(pc) =	sbr.abs _section_cstart, $3  }
0x3e: {  	[dreg:$0x1] =	wrdreg $0xFFFFFFFF  }
0x3f: {  	_ =	task.clear_ibuf [dreg:s7], $0x2FFFF;
	_ =	strace $0x9FFFFFFF  }
0x40: {  	(tm) =	ssettm $0x7FFFFFFF  }
0x41: {  	_ =	shalt  }
tec
execute0_lowered:
.L_overlay_start_1:
0x0: {  	(tag) =	ssettag $0x1  }
0x1: {  	s0 =	srdreg.scid  }
0x2: {  	s1 =	sshll.u32 s0, $0x4  }
0x3: {  	s0 =	stileid.u32;
	s1 =	sand.u32 $0x10, s1  }
0x4: {  	s1 =	sor.u32 s0, s1  }
0x5: {  	s6 =	rddreg [dreg:$0x0];
	s4 =	simm.s32 $0x1;
	s2 =	sshll.u32 s1, $0x7  }
0x6: {  	s7 =	simm.s32 $0x2;
	s12 =	simm.s32 $0x0;
	s1 =	ssub.s32 $0x1000, s2  }
0x7: {  	s8 =	simm.s32 $0x8000;
	s13 =	simm.s32 $0x0;
	s3 =	sand.u32 $0xF80, s1  }
0x8: {  	s9 =	simm.s32 $0x0;
	s5 =	sshrl.u32 s1, $0xC;
	p0 =	sne.s32 s3, $0x0  }
.Ltmp0:
0x9: {  	s1 =	rddreg [dreg:$0x2];
	s4 =	simm.s32 @!p0 $0x0;
	(pc) =	sbr.rel .LBB1_1-.Ltmp0, $4  }
0xa: {  	s11 =	simm.s32 $0x0;
	s3 =	rddreg [dreg:$0x1];
	s5 =	sadd.s32 s4, s5  }
0xb: {  	_ =	strace $0x8000004A;
	s4 =	simm.s32 $0x1;
	s5 =	smul.u32 $0xC8, s5  }
0xc: {  	s6 =	sadd.s32 $0x20E00, s6;
	s10 =	smov.u32 s2;
	[sflag:s4] =	ssyncpa.u1 $0x0  }
0xd: {  	p0 =	por $0x0, $0x0;
	[sflag:s7] =	ssyncpa.u1 $0x0;
	s7 =	sor.u32 $0x1, s5  }
.LBB1_4:
0xe: {  	s16 =	sshll.u32 s13, $0x3;
	s17 =	sand.u32 $0x78, s13  }
0xf: {  	s30 =	sand.u32 $0x7E00, s13;
	s12 =	sshll.u32 s12, $0xF;
	s16 =	sand.u32 $0xC00, s16  }
0x10: {  	[tilespmem:s15+$0x810 ss:$0x81] =	vst.msk $0xffff, v2;
	s31 =	sand.u32 $0x7, s13;
	s16 =	sor.u32 s17, s16;
	s17 =	sadd.s32 s3, s30  }
0x11: {  	[tilespmem:s15+$0x1020 ss:$0x81] =	vst.msk $0xffff, v0;
	s13 =	sshll.u32 s31, $0x12;
	s12 =	sadd.s32 s12, s17;
	s16 =	sshrl.u32 s16, $0x3  }
0x12: {  	[tilespmem:s15+$0x0 ss:$0x81] =	vst.msk $0xffff, v1;
	s13 =	sor.u32 $0x400, s13;
	s12 =	sadd.s32 s16, s12  }
0x13: {  	[hbm4b:s12+s13] =	stream.strided.scatter [tilespmem:s14], [sflag:$0x2], $0x2000, s8, s13, $0x20;
	[tilespmem:$0x8080] =	vst v63  }
.LBB1_5:
0x14: {  	s14 =	sadd.s32 $0x1, s9  }
0x15: {  	s12 =	sadd.s32 $0x1000, s10;
	s16 =	smov.u32 s10;
	p2 =	sgt.s32 s14, $0xC7  }
0x16: {  	s16 =	smov.u32 @p2 s12  }
0x17: {  	s14 =	simm.s32 @p2 $0x0;
	p2 =	sgt.s32 s16, $0xFFF  }
0x18: {  	s16 =	smov.u32 @p2 s2;
	p2 =	sne.s32 s11, s7  }
.Ltmp1:
0x19: {  	p1 =	slt.u32 s11, $0x2;
	(pc) =	sbr.rel @!p2 .LBB1_6-.Ltmp1, $4  }
0x1a: {  	s15 =	simm.s32 @!p1 $0x2  }
0x1b: {  	s13 =	smov.u32 s10;
	p0 =	por !p0, !p0;
	_ =	swait.ge @!p1 [sflag:s15], $0x2000  }
0x1c: {  	s12 =	smov.u32 s9;
	[sflag:s15] =	ssyncset.done @!p1 $0x0;
	s9 =	smov.u32 s14  }
0x1d: {  	s11 =	sadd.s32 $0x1, s11;
	[sflag:s15] =	ssyncadd.s32 @!p1 $0xFFFFE000;
	s10 =	smov.u32 s16  }
.LBB1_1:
0x1e: {  	p1 =	sge.u32 s11, s5  }
0x1f: {  	s14 =	sand.u32 @!p1 $0x1FFFFFF, s9  }
0x20: {  	s15 =	smulhi.u32 @!p1 $0x147AE15, s14;
	_ =	sdelay $0x1  }
0x21: {  	s15 =	smul.u32 @!p1 $0xC8, s15  }
0x22: {  	s16 =	sxor.u32 @!p1 $0xFFFFFFFF, s11;
	s17 =	smul.u32 @!p1 $0xC80, s10  }
0x23: {  	s31 =	sadd.s32 $0xFFFFFFFF, s11;
	s16 =	sshll.u32 @!p1 s16, $0xD;
	s14 =	ssub.s32 @!p1 s14, s15  }
0x24: {  	s15 =	sand.u32 @!p1 $0x2000, s16;
	s16 =	sadd.s32 @!p1 s6, s17;
	s14 =	sshll.u32 @!p1 s14, $0x4  }
0x25: {  	s17 =	simm.s32 @!p1 $0x6400;
	s14 =	sadd.s32 @!p1 s14, s16;
	s16 =	simm.s32 @!p1 $0x40  }
0x26: {  	[tilespmem:s15], [sflag:$0x1] =	stream.strided.gather @!p1 [hbm4b:s14+s16], $0x2000, s17, s16, $0x38;
	[tilespmem:$0x8080] =	vst v63  }
0x27: {  	p1 =	sge.u32 s31, s5  }
.Ltmp2:
0x28: {  	_ = 	snop;
	(pc) =	sbr.rel @p1 .LBB1_5-.Ltmp2, $1  }
0x29: {  	_ =	sdelay $0x3  }
0x2a: {  	s14 =	simm.s32 $0x1  }
0x2b: {  	_ =	swait.ge [sflag:s4], $0x2000;
	s14 =	simm.s32 @!p0 $0x0  }
0x2c: {  	[sflag:s4] =	ssyncset.done $0x0;
	s15 =	sshll.u32 s14, $0xD  }
0x2d: {  	[sflag:s4] =	ssyncadd.s32 $0xFFFFE000;
	s18 =	sor.u32 $0x20, s15  }
0x2e: {  	s14 =	smul.u32 $0x8100, s14;
	v3 =	vld [tilespmem:s18+$0x10]  }
0x2f: {  	s30 =	sand.u32 $0x1, s11;
	v2 =	vld [tilespmem:s18+$0xFFFFFFF0]  }
0x30: {  	s15 =	smul.u32 $0x8100, s30;
	s14 =	sshrl.u32 s14, $0x2;
	v0 =	vld [tilespmem:s18+$0x0]  }
0x31: {  	v1 =	vld [tilespmem:s18+$0xFFFFFFE0];
	s16 =	sor.u32 $0x4000, s14  }
0x32: {  	s31 =	sshrl.u32 s15, $0x2;
	s15 =	sadd.s32 $0x0, s16  }
0x33: {  	s17 =	simm.s32 $0x4;
	s18 =	sadd.s32 $0x40, s18;
	s14 =	sor.u32 $0x4000, s31;
	[tilespmem:s15+$0x1830 ss:$0x81] =	vst.msk $0xffff, v3  }
.LBB1_3:
0x34: {  	v3 =	vld [tilespmem:s18+$0x10];
	p1 =	sne.s32 s17, $0x1FC;
	[tilespmem:s15+$0x810 ss:$0x81] =	vst.msk $0xffff, v2;
	s19 =	smov.u32 s17;
	s17 =	sadd.s32 $0x4, s17  }
.Ltmp3:
0x35: {  	v2 =	vld [tilespmem:s18+$0xFFFFFFF0];
	[tilespmem:s15+$0x1020 ss:$0x81] =	vst.msk $0xffff, v0;
	(pc) =	sbr.rel @p1 .LBB1_3-.Ltmp3, $4  }
0x36: {  	v0 =	vld [tilespmem:s18+$0x0];
	[tilespmem:s15+$0x0 ss:$0x81] =	vst.msk $0xffff, v1  }
0x37: {  	s15 =	sshra.s32 s19, $0x2;
	v1 =	vld [tilespmem:s18+$0xFFFFFFE0]  }
0x38: {  	s15 =	sadd.s32 s15, s16  }
0x39: {  	s18 =	sadd.s32 $0x40, s18;
	[tilespmem:s15+$0x1830 ss:$0x81] =	vst.msk $0xffff, v3  }
.Ltmp4:
0x3a: {  	_ = 	snop;
	(pc) =	sbr.rel .LBB1_4-.Ltmp4, $1  }
0x3b: {  	_ =	sdelay $0x3  }
.LBB1_6:
0x3c: {  	_ =	sfence.sel $0x180000  }
0x3d: {  	s2 =	simm.s32 $0x1;
	[bflag:$0x0] =	sbarrier.arrive $0xFFFF  }
0x3e: {  	s31 =	simm.s32 $0x2;
	[sflag:s2] =	ssyncpa.u1 $0x1  }
0x3f: {  	[sflag:s31] =	ssyncpa.u1 $0x1  }
0x40: {  	p0 =	sne.s32 s0, $0x0;
	_ =	strace $0x9000004A  }
0x41: {  	s0 =	sadd.s32 @!p0 $0x100000, s1;
	[bflag:$0x2] =	sbarrier.arrive $0xFFFF  }
0x42: {  	[sflag:s0] =	ssyncadd.tile.s32 @!p0 $0x1;
	_ =	shalt  }
.Lfunc_end1:
_tile_overlayer_lowered:
.L_overlay_start_2:
0x43: {  	(tag) =	ssettag $0x2  }
0x44: {  	s0 =	rddreg [dreg:$0x0];
	s2 =	stileid.u32  }
0x45: {  	s1 =	rddreg [dreg:$0x1];
	p0 =	sne.s32 s2, $0x0  }
0x46: {  	s3 =	rddreg [dreg:$0x2];
	[bflag:$0x3] =	sbarrier.arrive $0xFFFF;
	s2 =	simm.s32 @!p0 $0x1C01  }
0x47: {  	[timem:s3], [sflag:s2] =	dma.local @!p0 [hbm:s0], s1  }
0x48: {  	s0 =	simm.s32 @!p0 $0x1  }
0x49: {  	_ =	swait.ge @!p0 [sflag:s0], s1  }
0x4a: {  	s1 =	ssub.s32 @!p0 $0x0, s1;
	[sflag:s0] =	ssyncset.done @!p0 $0x0  }
0x4b: {  	[sflag:s0] =	ssyncadd.s32 @!p0 s1  }
0x4c: {  	[bflag:$0x3] =	sbarrier.arrive $0xFFFF  }
0x4d: {  	_ =	shalt  }

</sc_bundles>
